<compile_context>
chip_gen: v7x
topology: tpu7x:2x2x1
jax: 0.10.2.dev20260603
libtpu: 0.0.44.dev20260713+nightly
codegen_flags: <defaults>
</compile_context>

<pallas_src>
import functools

import jax
import jax.numpy as jnp
from jax import lax
from jax.experimental import pallas as pl
from jax.experimental.pallas import tpu as pltpu
from jax.experimental.pallas import tpu_sc as plsc

_N = 10000
_E = 320000
_D = 128
_NC = 2
_NS = 16
_NW = _NC * _NS
_CH = 128
_CPT = 80
_EPAD = _NW * _CPT * _CH
_RPT = 632
_RPAD = _NS * _RPT

_mesh = plsc.VectorSubcoreMesh(
    core_axis_name="c", subcore_axis_name="s", num_cores=_NC, num_subcores=_NS)


@functools.partial(
    pl.kernel,
    out_type=jax.ShapeDtypeStruct((_NC, _RPAD, 16), jnp.float32),
    mesh=_mesh,
    scratch_types=[
        pltpu.VMEM((_CPT, _CH), jnp.int32),
        pltpu.VMEM((_CH, 16), jnp.float32),
        pltpu.VMEM_SHARED((_RPAD, 16), jnp.float32),
    ],
)
def _deg_sc(dst_hbm, ones_hbm, zeros_hbm, out_hbm, idx_v, ones_v, acc_sh):
    c = lax.axis_index("c")
    s = lax.axis_index("s")
    wid = s * _NC + c
    pltpu.sync_copy(zeros_hbm.at[pl.ds(s * _RPT, _RPT)],
                    acc_sh.at[pl.ds(s * _RPT, _RPT)])
    pltpu.sync_copy(ones_hbm, ones_v)
    pltpu.sync_copy(dst_hbm.at[wid], idx_v)
    plsc.subcore_barrier()

    def chunk(j, carry):
        pltpu.sync_copy(ones_v, acc_sh.at[idx_v.at[j]], add=True)
        return carry

    lax.fori_loop(0, _CPT, chunk, 0)
    plsc.subcore_barrier()
    pltpu.sync_copy(acc_sh.at[pl.ds(s * _RPT, _RPT)],
                    out_hbm.at[c, pl.ds(s * _RPT, _RPT)])


@functools.partial(
    pl.kernel,
    out_type=jax.ShapeDtypeStruct((_NC, _RPAD, _D), jnp.float32),
    mesh=_mesh,
    scratch_types=[
        pltpu.VMEM((_CPT, _CH), jnp.int32),
        pltpu.VMEM((_CPT, _CH), jnp.int32),
        pltpu.VMEM((_CH, _D), jnp.float32),
        pltpu.VMEM_SHARED((_RPAD, _D), jnp.float32),
        pltpu.SemaphoreType.DMA,
    ],
)
def _gather_sc(gs_hbm, src_hbm, dst_hbm, zeros_hbm, out_hbm,
               src_v, dst_v, rows_v, acc_sh, sem):
    c = lax.axis_index("c")
    s = lax.axis_index("s")
    wid = s * _NC + c
    pltpu.sync_copy(zeros_hbm.at[pl.ds(s * _RPT, _RPT)],
                    acc_sh.at[pl.ds(s * _RPT, _RPT)])
    pltpu.sync_copy(src_hbm.at[wid], src_v)
    pltpu.sync_copy(dst_hbm.at[wid], dst_v)
    plsc.subcore_barrier()

    def chunk(j, carry):
        pltpu.async_copy(gs_hbm.at[src_v.at[j]], rows_v, sem).wait()
        pltpu.sync_copy(rows_v, acc_sh.at[dst_v.at[j]], add=True)
        return carry

    lax.fori_loop(0, _CPT, chunk, 0)
    plsc.subcore_barrier()
    pltpu.sync_copy(acc_sh.at[pl.ds(s * _RPT, _RPT)],
                    out_hbm.at[c, pl.ds(s * _RPT, _RPT)])


def _bn_relu(v, g, b):
    m = jnp.mean(v, axis=0, keepdims=True)
    var = jnp.mean((v - m) ** 2, axis=0, keepdims=True)
    return jnp.maximum((v - m) * lax.rsqrt(var + 1e-5) * g[None, :] + b[None, :],
                       0.0)


def _mm_t(a, w):
    return lax.dot_general(a, w, (((1,), (1,)), ((), ())),
                           preferred_element_type=jnp.float32)


def _pre_body(x_ref, w0_ref, b0_ref, g0_ref, bb0_ref, cw_ref, h_ref, gp_ref):
    h = _bn_relu(_mm_t(x_ref[...], w0_ref[...]) + b0_ref[...][None, :],
                 g0_ref[...], bb0_ref[...])
    h_ref[...] = h
    gp_ref[...] = _mm_t(h, cw_ref[...])


def _scale_body(gp_ref, degp_ref, gs_ref):
    deg = degp_ref[0, : _N, 0:1] + degp_ref[1, : _N, 0:1] + 1.0
    gs_ref[...] = gp_ref[...] * lax.rsqrt(deg)


def _post_body(parts_ref, degp_ref, gs_ref, h_ref, ww_ref, wb_ref, g1_ref,
               b1_ref, fw_ref, fb_ref, out_ref):
    deg = degp_ref[0, : _N, 0:1] + degp_ref[1, : _N, 0:1] + 1.0
    prop = (parts_ref[0, : _N, :] + parts_ref[1, : _N, :] + gs_ref[...]) \
        * lax.rsqrt(deg)
    g2 = _bn_relu(_mm_t(prop, ww_ref[...]) + wb_ref[...][None, :],
                  g1_ref[...], b1_ref[...])
    xjk = jnp.maximum(h_ref[...], g2)
    out_ref[...] = _mm_t(xjk, fw_ref[...]) + fb_ref[...][None, :]


_pre_tc = pl.pallas_call(
    _pre_body,
    out_shape=[jax.ShapeDtypeStruct((_N, _D), jnp.float32),
               jax.ShapeDtypeStruct((_N, _D), jnp.float32)],
)

_scale_tc = pl.pallas_call(
    _scale_body,
    out_shape=jax.ShapeDtypeStruct((_N, _D), jnp.float32),
)

_post_tc = pl.pallas_call(
    _post_body,
    out_shape=jax.ShapeDtypeStruct((_N, _D), jnp.float32),
)


def kernel(x, edge_index, fc0_w, fc0_b, bn0_g, bn0_b, conv_w, W_w, W_b,
           bn1_g, bn1_b, fco_w, fco_b):
    src = edge_index[0].astype(jnp.int32)
    dst = edge_index[1].astype(jnp.int32)
    pad = _EPAD - _E
    srcp = jnp.concatenate([src, jnp.zeros((pad,), jnp.int32)])
    dstp = jnp.concatenate([dst, jnp.full((pad,), _N, jnp.int32)])
    srcp = srcp.reshape(_NW, _CPT, _CH)
    dstp = dstp.reshape(_NW, _CPT, _CH)
    ones16 = jnp.ones((_CH, 16), jnp.float32)
    zeros16 = jnp.zeros((_RPAD, 16), jnp.float32)
    zeros128 = jnp.zeros((_RPAD, _D), jnp.float32)

    deg_parts = _deg_sc(dstp, ones16, zeros16)
    h, g_pre = _pre_tc(x, fc0_w, fc0_b, bn0_g, bn0_b, conv_w)
    gs = _scale_tc(g_pre, deg_parts)
    parts = _gather_sc(gs, srcp, dstp, zeros128)
    return _post_tc(parts, deg_parts, gs, h, W_w, W_b, bn1_g, bn1_b,
                    fco_w, fco_b)

# --- scband reference (transcript-rebuilt; emitter-appended) ---
"""Pipeline reference for scband-gcnwith-jk-p-1623497638171 (READ-ONLY COPY).

The authoritative reference and input builder live on the scoring server;
editing this copy changes nothing except your own understanding.
"""

import jax, jax.numpy as jnp
import numpy as np

N = 10000
E = 320000
D = 128


def _bn(x, g, b, eps=1e-5):
    m = jnp.mean(x, axis=0)
    v = jnp.var(x, axis=0)
    return (x - m) / jnp.sqrt(v + eps) * g + b


def _gcn_propagate(h, src, dst, n):
    loop = jnp.arange(n, dtype=src.dtype)
    s = jnp.concatenate([src, loop])
    d = jnp.concatenate([dst, loop])
    deg = jax.ops.segment_sum(jnp.ones(s.shape[0], dtype=h.dtype), d, num_segments=n)
    dis = jnp.where(deg > 0, deg ** -0.5, 0.0)
    norm = dis[s] * dis[d]
    msg = h[s] * norm[:, None]
    return jax.ops.segment_sum(msg, d, num_segments=n)


def setup_inputs(seed: int = 0):
    key = jax.random.key(seed)
    ks = jax.random.split(key, 10)
    x = jax.random.normal(ks[0], (N, D), dtype=jnp.float32)
    edge_index = jax.random.randint(ks[1], (2, E), 0, N, dtype=jnp.int32)
    fc0_w = jax.random.normal(ks[2], (D, D), dtype=jnp.float32) * 0.05
    fc0_b = jnp.zeros((D,), dtype=jnp.float32)
    bn0_g = jnp.ones((D,), dtype=jnp.float32)
    bn0_b = jnp.zeros((D,), dtype=jnp.float32)
    conv_w = jax.random.normal(ks[3], (D, D), dtype=jnp.float32) * 0.05
    W_w = jax.random.normal(ks[4], (D, D), dtype=jnp.float32) * 0.05
    W_b = jnp.zeros((D,), dtype=jnp.float32)
    bn1_g = jnp.ones((D,), dtype=jnp.float32)
    bn1_b = jnp.zeros((D,), dtype=jnp.float32)
    fco_w = jax.random.normal(ks[5], (D, D), dtype=jnp.float32) * 0.05
    fco_b = jnp.zeros((D,), dtype=jnp.float32)
    return {"x": x, "edge_index": edge_index, "fc0_w": fc0_w, "fc0_b": fc0_b, "bn0_g": bn0_g, "bn0_b": bn0_b, "conv_w": conv_w, "W_w": W_w, "W_b": W_b, "bn1_g": bn1_g, "bn1_b": bn1_b, "fco_w": fco_w, "fco_b": fco_b}


def reference(x, edge_index, fc0_w, fc0_b, bn0_g, bn0_b, conv_w, W_w, W_b, bn1_g, bn1_b, fco_w, fco_b):
    src = edge_index[0]
    dst = edge_index[1]
    n = x.shape[0]
    # input projection fcs[0]
    h = x @ fc0_w.T + fc0_b
    h = _bn(h, bn0_g, bn0_b)
    h = jax.nn.relu(h)
    # dropout p=0.0 -> identity
    layer_outs = [h]
    # GCNConv (normalize=True, bias=False): linear then symmetric-normalized aggregation
    g = h @ conv_w.T
    g = _gcn_propagate(g, src, dst, n)
    g = g @ W_w.T + W_b
    g = _bn(g, bn1_g, bn1_b)
    g = jax.nn.relu(g)
    layer_outs.append(g)
    # JumpingKnowledge mode='max': elementwise max over layer outputs
    xjk = jnp.max(jnp.stack(layer_outs, axis=0), axis=0)
    return xjk @ fco_w.T + fco_b

if __name__ == "__main__":
    import jax
    _d = setup_inputs()
    print(jax.jit(kernel)(*tuple(_d.values())))

</pallas_src>

<mosaic_0001>
#map = affine_map<(d0, d1) -> (0, 0, 0)>
#map1 = affine_map<(d0, d1) -> (0, 0)>
module attributes {stable_mosaic.version = 14 : i64} {
  func.func @_deg_sc(%arg0: i32, %arg1: i32, %arg2: memref<32x80x128xi32, #tpu.memory_space<hbm>>, %arg3: memref<128x16xf32, #tpu.memory_space<hbm>>, %arg4: memref<10112x16xf32, #tpu.memory_space<hbm>>, %arg5: memref<2x10112x16xf32, #tpu.memory_space<hbm>>, %arg6: memref<80x128xi32, #tpu.memory_space<vmem>>, %arg7: memref<128x16xf32, #tpu.memory_space<vmem>>, %arg8: memref<10112x16xf32, #tpu.memory_space<vmem_shared>>) attributes {dimension_semantics = [#tpu.dimension_semantics<core_parallel>, #tpu.dimension_semantics<subcore_parallel>], iteration_bounds = array<i64: 2, 16>, scalar_prefetch = 0 : i64, scratch_operands = 3 : i64, tpu.core_type = #tpu.core_type<sc_vector_subcore>, window_params = [{transform_indices = #map}, {transform_indices = #map1}, {transform_indices = #map1}, {transform_indices = #map}]} {
    %mul3A = arith.constant 2 : i32
    %mul3A_0 = arith.muli %arg1, %mul3A : i32
    %add3A = arith.addi %mul3A_0, %arg0 : i32
    %mul3A_1 = arith.constant 632 : i32
    %mul3A_2 = arith.muli %arg1, %mul3A_1 : i32
    %mul3A_3 = arith.constant 632 : i32
    %mul3A_4 = arith.muli %arg1, %mul3A_3 : i32
    "tpu.region"() ({
      %run_scoped3A = tpu.sem_alloc : memref<!tpu.dma_semaphore, #tpu.memory_space<semaphore_mem>>
      %dma_start3A = arith.constant 0 : i32
      %dma_start3A_15 = tpu.memref_slice %arg8[%mul3A_4, %dma_start3A] : memref<10112x16xf32, #tpu.memory_space<vmem_shared>> -> memref<632x16xf32, #tpu.memory_space<vmem_shared>>
      %dma_start3A_16 = arith.constant 0 : i32
      %dma_start3A_17 = tpu.memref_slice %arg4[%mul3A_2, %dma_start3A_16] : memref<10112x16xf32, #tpu.memory_space<hbm>> -> memref<632x16xf32, #tpu.memory_space<hbm>>
      tpu.enqueue_dma source(%dma_start3A_17 : memref<632x16xf32, #tpu.memory_space<hbm>>) target(%dma_start3A_15 : memref<632x16xf32, #tpu.memory_space<vmem_shared>>) target_semaphore(%run_scoped3A : memref<!tpu.dma_semaphore, #tpu.memory_space<semaphore_mem>>)
      %dma_wait3A = arith.constant 0 : i32
      %dma_wait3A_18 = tpu.memref_slice %arg8[%mul3A_4, %dma_wait3A] : memref<10112x16xf32, #tpu.memory_space<vmem_shared>> -> memref<632x16xf32, #tpu.memory_space<vmem_shared>>
      %dma_wait3A_19 = arith.constant 0 : i32
      %dma_wait3A_20 = tpu.memref_slice %arg4[%mul3A_2, %dma_wait3A_19] : memref<10112x16xf32, #tpu.memory_space<hbm>> -> memref<632x16xf32, #tpu.memory_space<hbm>>
      tpu.wait_dma2 semaphore(%run_scoped3A : memref<!tpu.dma_semaphore, #tpu.memory_space<semaphore_mem>>) src(%dma_wait3A_20 : memref<632x16xf32, #tpu.memory_space<hbm>>) dst(%dma_wait3A_18 : memref<632x16xf32, #tpu.memory_space<vmem_shared>>)
      tpu.yield
    }) : () -> ()
    "tpu.region"() ({
      %run_scoped3A = tpu.sem_alloc : memref<!tpu.dma_semaphore, #tpu.memory_space<semaphore_mem>>
      tpu.enqueue_dma source(%arg3 : memref<128x16xf32, #tpu.memory_space<hbm>>) target(%arg7 : memref<128x16xf32, #tpu.memory_space<vmem>>) target_semaphore(%run_scoped3A : memref<!tpu.dma_semaphore, #tpu.memory_space<semaphore_mem>>)
      tpu.wait_dma2 semaphore(%run_scoped3A : memref<!tpu.dma_semaphore, #tpu.memory_space<semaphore_mem>>) src(%arg3 : memref<128x16xf32, #tpu.memory_space<hbm>>) dst(%arg7 : memref<128x16xf32, #tpu.memory_space<vmem>>)
      tpu.yield
    }) : () -> ()
    "tpu.region"() ({
      %run_scoped3A = tpu.sem_alloc : memref<!tpu.dma_semaphore, #tpu.memory_space<semaphore_mem>>
      %dma_start3A = arith.constant 0 : i32
      %dma_start3A_15 = arith.constant 0 : i32
      %dma_start3A_16 = tpu.memref_slice %arg2[%add3A, %dma_start3A, %dma_start3A_15] : memref<32x80x128xi32, #tpu.memory_space<hbm>> -> memref<1x80x128xi32, #tpu.memory_space<hbm>>
      %dma_start3A_17 = tpu.memref_squeeze %dma_start3A_16 : memref<1x80x128xi32, #tpu.memory_space<hbm>> -> memref<80x128xi32, #tpu.memory_space<hbm>>
      %dma_start3A_18 = arith.constant 0 : i32
      %dma_start3A_19 = arith.constant 0 : i32
      %dma_start3A_20 = tpu.memref_slice %arg2[%add3A, %dma_start3A_18, %dma_start3A_19] : memref<32x80x128xi32, #tpu.memory_space<hbm>> -> memref<1x80x128xi32, #tpu.memory_space<hbm>>
      %dma_start3A_21 = tpu.memref_squeeze %dma_start3A_20 : memref<1x80x128xi32, #tpu.memory_space<hbm>> -> memref<80x128xi32, #tpu.memory_space<hbm>>
      tpu.enqueue_dma source(%dma_start3A_21 : memref<80x128xi32, #tpu.memory_space<hbm>>) target(%arg6 : memref<80x128xi32, #tpu.memory_space<vmem>>) target_semaphore(%run_scoped3A : memref<!tpu.dma_semaphore, #tpu.memory_space<semaphore_mem>>)
      %dma_wait3A = arith.constant 0 : i32
      %dma_wait3A_22 = arith.constant 0 : i32
      %dma_wait3A_23 = tpu.memref_slice %arg2[%add3A, %dma_wait3A, %dma_wait3A_22] : memref<32x80x128xi32, #tpu.memory_space<hbm>> -> memref<1x80x128xi32, #tpu.memory_space<hbm>>
      %dma_wait3A_24 = tpu.memref_squeeze %dma_wait3A_23 : memref<1x80x128xi32, #tpu.memory_space<hbm>> -> memref<80x128xi32, #tpu.memory_space<hbm>>
      %dma_wait3A_25 = arith.constant 0 : i32
      %dma_wait3A_26 = arith.constant 0 : i32
      %dma_wait3A_27 = tpu.memref_slice %arg2[%add3A, %dma_wait3A_25, %dma_wait3A_26] : memref<32x80x128xi32, #tpu.memory_space<hbm>> -> memref<1x80x128xi32, #tpu.memory_space<hbm>>
      %dma_wait3A_28 = tpu.memref_squeeze %dma_wait3A_27 : memref<1x80x128xi32, #tpu.memory_space<hbm>> -> memref<80x128xi32, #tpu.memory_space<hbm>>
      tpu.wait_dma2 semaphore(%run_scoped3A : memref<!tpu.dma_semaphore, #tpu.memory_space<semaphore_mem>>) src(%dma_wait3A_28 : memref<80x128xi32, #tpu.memory_space<hbm>>) dst(%arg6 : memref<80x128xi32, #tpu.memory_space<vmem>>)
      tpu.yield
    }) : () -> ()
    %barrier3A = arith.constant 0 : index
    tpu.barrier barrier_id(%barrier3A)
    %scan3A = arith.constant 0 : i32
    %scan3A_5 = arith.constant 0 : i32
    %scan3A_6 = arith.constant 80 : i32
    %scan3A_7 = arith.addi %scan3A_5, %scan3A_6 : i32
    %scan3A_8 = arith.constant 1 : i32
    scf.for %scan3A_15 = %scan3A_5 to %scan3A_7 step %scan3A_8  : i32 {
      "tpu.region"() ({
        %run_scoped3A = tpu.sem_alloc : memref<!tpu.dma_semaphore, #tpu.memory_space<semaphore_mem>>
        %dma_start3A = arith.constant 0 : i32
        %dma_start3A_16 = tpu.memref_slice %arg6[%scan3A_15, %dma_start3A] : memref<80x128xi32, #tpu.memory_space<vmem>> -> memref<1x128xi32, #tpu.memory_space<vmem>>
        %dma_start3A_17 = tpu.memref_squeeze %dma_start3A_16 : memref<1x128xi32, #tpu.memory_space<vmem>> -> memref<128xi32, #tpu.memory_space<vmem>>
        %dma_start3A_18 = arith.constant 0 : i32
        %dma_start3A_19 = arith.constant 0 : i32
        %dma_start3A_20 = tpu.memref_slice %arg8[%dma_start3A_18, %dma_start3A_19] : memref<10112x16xf32, #tpu.memory_space<vmem_shared>> -> memref<10112x16xf32, #tpu.memory_space<vmem_shared>>
        tpu.enqueue_indirect_dma source(%arg7 : memref<128x16xf32, #tpu.memory_space<vmem>>) target(%dma_start3A_20 : memref<10112x16xf32, #tpu.memory_space<vmem_shared>>) offsets(%dma_start3A_17 : memref<128xi32, #tpu.memory_space<vmem>>) semaphore(%run_scoped3A : memref<!tpu.dma_semaphore, #tpu.memory_space<semaphore_mem>>) {add = true}
        %dma_wait3A = arith.constant 0 : i32
        %dma_wait3A_21 = tpu.memref_slice %arg6[%scan3A_15, %dma_wait3A] : memref<80x128xi32, #tpu.memory_space<vmem>> -> memref<1x128xi32, #tpu.memory_space<vmem>>
        %dma_wait3A_22 = tpu.memref_squeeze %dma_wait3A_21 : memref<1x128xi32, #tpu.memory_space<vmem>> -> memref<128xi32, #tpu.memory_space<vmem>>
        %dma_wait3A_23 = arith.constant 0 : i32
        %dma_wait3A_24 = arith.constant 0 : i32
        %dma_wait3A_25 = tpu.memref_slice %arg8[%dma_wait3A_23, %dma_wait3A_24] : memref<10112x16xf32, #tpu.memory_space<vmem_shared>> -> memref<10112x16xf32, #tpu.memory_space<vmem_shared>>
        tpu.wait_indirect_dma semaphore(%run_scoped3A : memref<!tpu.dma_semaphore, #tpu.memory_space<semaphore_mem>>) src(%arg7 : memref<128x16xf32, #tpu.memory_space<vmem>>) dst(%dma_wait3A_25 : memref<10112x16xf32, #tpu.memory_space<vmem_shared>>)
        tpu.yield
      }) : () -> ()
    }
    %scan3A_9 = arith.constant 80 : i32
    %barrier3A_10 = arith.constant 0 : index
    tpu.barrier barrier_id(%barrier3A_10)
    %mul3A_11 = arith.constant 632 : i32
    %mul3A_12 = arith.muli %arg1, %mul3A_11 : i32
    %mul3A_13 = arith.constant 632 : i32
    %mul3A_14 = arith.muli %arg1, %mul3A_13 : i32
    "tpu.region"() ({
      %run_scoped3A = tpu.sem_alloc : memref<!tpu.dma_semaphore, #tpu.memory_space<semaphore_mem>>
      %dma_start3A = arith.constant 0 : i32
      %dma_start3A_15 = tpu.memref_slice %arg5[%arg0, %mul3A_14, %dma_start3A] : memref<2x10112x16xf32, #tpu.memory_space<hbm>> -> memref<1x632x16xf32, #tpu.memory_space<hbm>>
      %dma_start3A_16 = tpu.memref_squeeze %dma_start3A_15 : memref<1x632x16xf32, #tpu.memory_space<hbm>> -> memref<632x16xf32, #tpu.memory_space<hbm>>
      %dma_start3A_17 = arith.constant 0 : i32
      %dma_start3A_18 = tpu.memref_slice %arg8[%mul3A_12, %dma_start3A_17] : memref<10112x16xf32, #tpu.memory_space<vmem_shared>> -> memref<632x16xf32, #tpu.memory_space<vmem_shared>>
      tpu.enqueue_dma source(%dma_start3A_18 : memref<632x16xf32, #tpu.memory_space<vmem_shared>>) target(%dma_start3A_16 : memref<632x16xf32, #tpu.memory_space<hbm>>) target_semaphore(%run_scoped3A : memref<!tpu.dma_semaphore, #tpu.memory_space<semaphore_mem>>)
      %dma_wait3A = arith.constant 0 : i32
      %dma_wait3A_19 = tpu.memref_slice %arg5[%arg0, %mul3A_14, %dma_wait3A] : memref<2x10112x16xf32, #tpu.memory_space<hbm>> -> memref<1x632x16xf32, #tpu.memory_space<hbm>>
      %dma_wait3A_20 = tpu.memref_squeeze %dma_wait3A_19 : memref<1x632x16xf32, #tpu.memory_space<hbm>> -> memref<632x16xf32, #tpu.memory_space<hbm>>
      %dma_wait3A_21 = arith.constant 0 : i32
      %dma_wait3A_22 = tpu.memref_slice %arg8[%mul3A_12, %dma_wait3A_21] : memref<10112x16xf32, #tpu.memory_space<vmem_shared>> -> memref<632x16xf32, #tpu.memory_space<vmem_shared>>
      tpu.wait_dma2 semaphore(%run_scoped3A : memref<!tpu.dma_semaphore, #tpu.memory_space<semaphore_mem>>) src(%dma_wait3A_22 : memref<632x16xf32, #tpu.memory_space<vmem_shared>>) dst(%dma_wait3A_20 : memref<632x16xf32, #tpu.memory_space<hbm>>)
      tpu.yield
    }) : () -> ()
    return
  }
}

#map = affine_map<(d0, d1) -> (0, 0)>
#map1 = affine_map<(d0, d1) -> (0, 0, 0)>
module attributes {stable_mosaic.version = 14 : i64} {
  func.func @_gather_sc(%arg0: i32, %arg1: i32, %arg2: memref<10000x128xf32, #tpu.memory_space<hbm>>, %arg3: memref<32x80x128xi32, #tpu.memory_space<hbm>>, %arg4: memref<32x80x128xi32, #tpu.memory_space<hbm>>, %arg5: memref<10112x128xf32, #tpu.memory_space<hbm>>, %arg6: memref<2x10112x128xf32, #tpu.memory_space<hbm>>, %arg7: memref<80x128xi32, #tpu.memory_space<vmem>>, %arg8: memref<80x128xi32, #tpu.memory_space<vmem>>, %arg9: memref<128x128xf32, #tpu.memory_space<vmem>>, %arg10: memref<10112x128xf32, #tpu.memory_space<vmem_shared>>, %arg11: memref<!tpu.dma_semaphore, #tpu.memory_space<semaphore_mem>>) attributes {dimension_semantics = [#tpu.dimension_semantics<core_parallel>, #tpu.dimension_semantics<subcore_parallel>], iteration_bounds = array<i64: 2, 16>, scalar_prefetch = 0 : i64, scratch_operands = 5 : i64, tpu.core_type = #tpu.core_type<sc_vector_subcore>, window_params = [{transform_indices = #map}, {transform_indices = #map1}, {transform_indices = #map1}, {transform_indices = #map}, {transform_indices = #map1}]} {
    %mul3A = arith.constant 2 : i32
    %mul3A_0 = arith.muli %arg1, %mul3A : i32
    %add3A = arith.addi %mul3A_0, %arg0 : i32
    %mul3A_1 = arith.constant 632 : i32
    %mul3A_2 = arith.muli %arg1, %mul3A_1 : i32
    %mul3A_3 = arith.constant 632 : i32
    %mul3A_4 = arith.muli %arg1, %mul3A_3 : i32
    "tpu.region"() ({
      %run_scoped3A = tpu.sem_alloc : memref<!tpu.dma_semaphore, #tpu.memory_space<semaphore_mem>>
      %dma_start3A = arith.constant 0 : i32
      %dma_start3A_15 = tpu.memref_slice %arg10[%mul3A_4, %dma_start3A] : memref<10112x128xf32, #tpu.memory_space<vmem_shared>> -> memref<632x128xf32, #tpu.memory_space<vmem_shared>>
      %dma_start3A_16 = arith.constant 0 : i32
      %dma_start3A_17 = tpu.memref_slice %arg5[%mul3A_2, %dma_start3A_16] : memref<10112x128xf32, #tpu.memory_space<hbm>> -> memref<632x128xf32, #tpu.memory_space<hbm>>
      tpu.enqueue_dma source(%dma_start3A_17 : memref<632x128xf32, #tpu.memory_space<hbm>>) target(%dma_start3A_15 : memref<632x128xf32, #tpu.memory_space<vmem_shared>>) target_semaphore(%run_scoped3A : memref<!tpu.dma_semaphore, #tpu.memory_space<semaphore_mem>>)
      %dma_wait3A = arith.constant 0 : i32
      %dma_wait3A_18 = tpu.memref_slice %arg10[%mul3A_4, %dma_wait3A] : memref<10112x128xf32, #tpu.memory_space<vmem_shared>> -> memref<632x128xf32, #tpu.memory_space<vmem_shared>>
      %dma_wait3A_19 = arith.constant 0 : i32
      %dma_wait3A_20 = tpu.memref_slice %arg5[%mul3A_2, %dma_wait3A_19] : memref<10112x128xf32, #tpu.memory_space<hbm>> -> memref<632x128xf32, #tpu.memory_space<hbm>>
      tpu.wait_dma2 semaphore(%run_scoped3A : memref<!tpu.dma_semaphore, #tpu.memory_space<semaphore_mem>>) src(%dma_wait3A_20 : memref<632x128xf32, #tpu.memory_space<hbm>>) dst(%dma_wait3A_18 : memref<632x128xf32, #tpu.memory_space<vmem_shared>>)
      tpu.yield
    }) : () -> ()
    "tpu.region"() ({
      %run_scoped3A = tpu.sem_alloc : memref<!tpu.dma_semaphore, #tpu.memory_space<semaphore_mem>>
      %dma_start3A = arith.constant 0 : i32
      %dma_start3A_15 = arith.constant 0 : i32
      %dma_start3A_16 = tpu.memref_slice %arg3[%add3A, %dma_start3A, %dma_start3A_15] : memref<32x80x128xi32, #tpu.memory_space<hbm>> -> memref<1x80x128xi32, #tpu.memory_space<hbm>>
      %dma_start3A_17 = tpu.memref_squeeze %dma_start3A_16 : memref<1x80x128xi32, #tpu.memory_space<hbm>> -> memref<80x128xi32, #tpu.memory_space<hbm>>
      %dma_start3A_18 = arith.constant 0 : i32
      %dma_start3A_19 = arith.constant 0 : i32
      %dma_start3A_20 = tpu.memref_slice %arg3[%add3A, %dma_start3A_18, %dma_start3A_19] : memref<32x80x128xi32, #tpu.memory_space<hbm>> -> memref<1x80x128xi32, #tpu.memory_space<hbm>>
      %dma_start3A_21 = tpu.memref_squeeze %dma_start3A_20 : memref<1x80x128xi32, #tpu.memory_space<hbm>> -> memref<80x128xi32, #tpu.memory_space<hbm>>
      tpu.enqueue_dma source(%dma_start3A_21 : memref<80x128xi32, #tpu.memory_space<hbm>>) target(%arg7 : memref<80x128xi32, #tpu.memory_space<vmem>>) target_semaphore(%run_scoped3A : memref<!tpu.dma_semaphore, #tpu.memory_space<semaphore_mem>>)
      %dma_wait3A = arith.constant 0 : i32
      %dma_wait3A_22 = arith.constant 0 : i32
      %dma_wait3A_23 = tpu.memref_slice %arg3[%add3A, %dma_wait3A, %dma_wait3A_22] : memref<32x80x128xi32, #tpu.memory_space<hbm>> -> memref<1x80x128xi32, #tpu.memory_space<hbm>>
      %dma_wait3A_24 = tpu.memref_squeeze %dma_wait3A_23 : memref<1x80x128xi32, #tpu.memory_space<hbm>> -> memref<80x128xi32, #tpu.memory_space<hbm>>
      %dma_wait3A_25 = arith.constant 0 : i32
      %dma_wait3A_26 = arith.constant 0 : i32
      %dma_wait3A_27 = tpu.memref_slice %arg3[%add3A, %dma_wait3A_25, %dma_wait3A_26] : memref<32x80x128xi32, #tpu.memory_space<hbm>> -> memref<1x80x128xi32, #tpu.memory_space<hbm>>
      %dma_wait3A_28 = tpu.memref_squeeze %dma_wait3A_27 : memref<1x80x128xi32, #tpu.memory_space<hbm>> -> memref<80x128xi32, #tpu.memory_space<hbm>>
      tpu.wait_dma2 semaphore(%run_scoped3A : memref<!tpu.dma_semaphore, #tpu.memory_space<semaphore_mem>>) src(%dma_wait3A_28 : memref<80x128xi32, #tpu.memory_space<hbm>>) dst(%arg7 : memref<80x128xi32, #tpu.memory_space<vmem>>)
      tpu.yield
    }) : () -> ()
    "tpu.region"() ({
      %run_scoped3A = tpu.sem_alloc : memref<!tpu.dma_semaphore, #tpu.memory_space<semaphore_mem>>
      %dma_start3A = arith.constant 0 : i32
      %dma_start3A_15 = arith.constant 0 : i32
      %dma_start3A_16 = tpu.memref_slice %arg4[%add3A, %dma_start3A, %dma_start3A_15] : memref<32x80x128xi32, #tpu.memory_space<hbm>> -> memref<1x80x128xi32, #tpu.memory_space<hbm>>
      %dma_start3A_17 = tpu.memref_squeeze %dma_start3A_16 : memref<1x80x128xi32, #tpu.memory_space<hbm>> -> memref<80x128xi32, #tpu.memory_space<hbm>>
      %dma_start3A_18 = arith.constant 0 : i32
      %dma_start3A_19 = arith.constant 0 : i32
      %dma_start3A_20 = tpu.memref_slice %arg4[%add3A, %dma_start3A_18, %dma_start3A_19] : memref<32x80x128xi32, #tpu.memory_space<hbm>> -> memref<1x80x128xi32, #tpu.memory_space<hbm>>
      %dma_start3A_21 = tpu.memref_squeeze %dma_start3A_20 : memref<1x80x128xi32, #tpu.memory_space<hbm>> -> memref<80x128xi32, #tpu.memory_space<hbm>>
      tpu.enqueue_dma source(%dma_start3A_21 : memref<80x128xi32, #tpu.memory_space<hbm>>) target(%arg8 : memref<80x128xi32, #tpu.memory_space<vmem>>) target_semaphore(%run_scoped3A : memref<!tpu.dma_semaphore, #tpu.memory_space<semaphore_mem>>)
      %dma_wait3A = arith.constant 0 : i32
      %dma_wait3A_22 = arith.constant 0 : i32
      %dma_wait3A_23 = tpu.memref_slice %arg4[%add3A, %dma_wait3A, %dma_wait3A_22] : memref<32x80x128xi32, #tpu.memory_space<hbm>> -> memref<1x80x128xi32, #tpu.memory_space<hbm>>
      %dma_wait3A_24 = tpu.memref_squeeze %dma_wait3A_23 : memref<1x80x128xi32, #tpu.memory_space<hbm>> -> memref<80x128xi32, #tpu.memory_space<hbm>>
      %dma_wait3A_25 = arith.constant 0 : i32
      %dma_wait3A_26 = arith.constant 0 : i32
      %dma_wait3A_27 = tpu.memref_slice %arg4[%add3A, %dma_wait3A_25, %dma_wait3A_26] : memref<32x80x128xi32, #tpu.memory_space<hbm>> -> memref<1x80x128xi32, #tpu.memory_space<hbm>>
      %dma_wait3A_28 = tpu.memref_squeeze %dma_wait3A_27 : memref<1x80x128xi32, #tpu.memory_space<hbm>> -> memref<80x128xi32, #tpu.memory_space<hbm>>
      tpu.wait_dma2 semaphore(%run_scoped3A : memref<!tpu.dma_semaphore, #tpu.memory_space<semaphore_mem>>) src(%dma_wait3A_28 : memref<80x128xi32, #tpu.memory_space<hbm>>) dst(%arg8 : memref<80x128xi32, #tpu.memory_space<vmem>>)
      tpu.yield
    }) : () -> ()
    %barrier3A = arith.constant 0 : index
    tpu.barrier barrier_id(%barrier3A)
    %scan3A = arith.constant 0 : i32
    %scan3A_5 = arith.constant 0 : i32
    %scan3A_6 = arith.constant 80 : i32
    %scan3A_7 = arith.addi %scan3A_5, %scan3A_6 : i32
    %scan3A_8 = arith.constant 1 : i32
    scf.for %scan3A_15 = %scan3A_5 to %scan3A_7 step %scan3A_8  : i32 {
      %dma_start3A = arith.constant 0 : i32
      %dma_start3A_16 = tpu.memref_slice %arg7[%scan3A_15, %dma_start3A] : memref<80x128xi32, #tpu.memory_space<vmem>> -> memref<1x128xi32, #tpu.memory_space<vmem>>
      %dma_start3A_17 = tpu.memref_squeeze %dma_start3A_16 : memref<1x128xi32, #tpu.memory_space<vmem>> -> memref<128xi32, #tpu.memory_space<vmem>>
      %dma_start3A_18 = arith.constant 0 : i32
      %dma_start3A_19 = arith.constant 0 : i32
      %dma_start3A_20 = tpu.memref_slice %arg2[%dma_start3A_18, %dma_start3A_19] : memref<10000x128xf32, #tpu.memory_space<hbm>> -> memref<10000x128xf32, #tpu.memory_space<hbm>>
      tpu.enqueue_indirect_dma source(%dma_start3A_20 : memref<10000x128xf32, #tpu.memory_space<hbm>>) target(%arg9 : memref<128x128xf32, #tpu.memory_space<vmem>>) offsets(%dma_start3A_17 : memref<128xi32, #tpu.memory_space<vmem>>) semaphore(%arg11 : memref<!tpu.dma_semaphore, #tpu.memory_space<semaphore_mem>>)
      %dma_wait3A = arith.constant 0 : i32
      %dma_wait3A_21 = tpu.memref_slice %arg7[%scan3A_15, %dma_wait3A] : memref<80x128xi32, #tpu.memory_space<vmem>> -> memref<1x128xi32, #tpu.memory_space<vmem>>
      %dma_wait3A_22 = tpu.memref_squeeze %dma_wait3A_21 : memref<1x128xi32, #tpu.memory_space<vmem>> -> memref<128xi32, #tpu.memory_space<vmem>>
      %dma_wait3A_23 = arith.constant 0 : i32
      %dma_wait3A_24 = arith.constant 0 : i32
      %dma_wait3A_25 = tpu.memref_slice %arg2[%dma_wait3A_23, %dma_wait3A_24] : memref<10000x128xf32, #tpu.memory_space<hbm>> -> memref<10000x128xf32, #tpu.memory_space<hbm>>
      tpu.wait_indirect_dma semaphore(%arg11 : memref<!tpu.dma_semaphore, #tpu.memory_space<semaphore_mem>>) src(%dma_wait3A_25 : memref<10000x128xf32, #tpu.memory_space<hbm>>) dst(%arg9 : memref<128x128xf32, #tpu.memory_space<vmem>>)
      "tpu.region"() ({
        %run_scoped3A = tpu.sem_alloc : memref<!tpu.dma_semaphore, #tpu.memory_space<semaphore_mem>>
        %dma_start3A_26 = arith.constant 0 : i32
        %dma_start3A_27 = tpu.memref_slice %arg8[%scan3A_15, %dma_start3A_26] : memref<80x128xi32, #tpu.memory_space<vmem>> -> memref<1x128xi32, #tpu.memory_space<vmem>>
        %dma_start3A_28 = tpu.memref_squeeze %dma_start3A_27 : memref<1x128xi32, #tpu.memory_space<vmem>> -> memref<128xi32, #tpu.memory_space<vmem>>
        %dma_start3A_29 = arith.constant 0 : i32
        %dma_start3A_30 = arith.constant 0 : i32
        %dma_start3A_31 = tpu.memref_slice %arg10[%dma_start3A_29, %dma_start3A_30] : memref<10112x128xf32, #tpu.memory_space<vmem_shared>> -> memref<10112x128xf32, #tpu.memory_space<vmem_shared>>
        tpu.enqueue_indirect_dma source(%arg9 : memref<128x128xf32, #tpu.memory_space<vmem>>) target(%dma_start3A_31 : memref<10112x128xf32, #tpu.memory_space<vmem_shared>>) offsets(%dma_start3A_28 : memref<128xi32, #tpu.memory_space<vmem>>) semaphore(%run_scoped3A : memref<!tpu.dma_semaphore, #tpu.memory_space<semaphore_mem>>) {add = true}
        %dma_wait3A_32 = arith.constant 0 : i32
        %dma_wait3A_33 = tpu.memref_slice %arg8[%scan3A_15, %dma_wait3A_32] : memref<80x128xi32, #tpu.memory_space<vmem>> -> memref<1x128xi32, #tpu.memory_space<vmem>>
        %dma_wait3A_34 = tpu.memref_squeeze %dma_wait3A_33 : memref<1x128xi32, #tpu.memory_space<vmem>> -> memref<128xi32, #tpu.memory_space<vmem>>
        %dma_wait3A_35 = arith.constant 0 : i32
        %dma_wait3A_36 = arith.constant 0 : i32
        %dma_wait3A_37 = tpu.memref_slice %arg10[%dma_wait3A_35, %dma_wait3A_36] : memref<10112x128xf32, #tpu.memory_space<vmem_shared>> -> memref<10112x128xf32, #tpu.memory_space<vmem_shared>>
        tpu.wait_indirect_dma semaphore(%run_scoped3A : memref<!tpu.dma_semaphore, #tpu.memory_space<semaphore_mem>>) src(%arg9 : memref<128x128xf32, #tpu.memory_space<vmem>>) dst(%dma_wait3A_37 : memref<10112x128xf32, #tpu.memory_space<vmem_shared>>)
        tpu.yield
      }) : () -> ()
    }
    %scan3A_9 = arith.constant 80 : i32
    %barrier3A_10 = arith.constant 0 : index
    tpu.barrier barrier_id(%barrier3A_10)
    %mul3A_11 = arith.constant 632 : i32
    %mul3A_12 = arith.muli %arg1, %mul3A_11 : i32
    %mul3A_13 = arith.constant 632 : i32
    %mul3A_14 = arith.muli %arg1, %mul3A_13 : i32
    "tpu.region"() ({
      %run_scoped3A = tpu.sem_alloc : memref<!tpu.dma_semaphore, #tpu.memory_space<semaphore_mem>>
      %dma_start3A = arith.constant 0 : i32
      %dma_start3A_15 = tpu.memref_slice %arg6[%arg0, %mul3A_14, %dma_start3A] : memref<2x10112x128xf32, #tpu.memory_space<hbm>> -> memref<1x632x128xf32, #tpu.memory_space<hbm>>
      %dma_start3A_16 = tpu.memref_squeeze %dma_start3A_15 : memref<1x632x128xf32, #tpu.memory_space<hbm>> -> memref<632x128xf32, #tpu.memory_space<hbm>>
      %dma_start3A_17 = arith.constant 0 : i32
      %dma_start3A_18 = tpu.memref_slice %arg10[%mul3A_12, %dma_start3A_17] : memref<10112x128xf32, #tpu.memory_space<vmem_shared>> -> memref<632x128xf32, #tpu.memory_space<vmem_shared>>
      tpu.enqueue_dma source(%dma_start3A_18 : memref<632x128xf32, #tpu.memory_space<vmem_shared>>) target(%dma_start3A_16 : memref<632x128xf32, #tpu.memory_space<hbm>>) target_semaphore(%run_scoped3A : memref<!tpu.dma_semaphore, #tpu.memory_space<semaphore_mem>>)
      %dma_wait3A = arith.constant 0 : i32
      %dma_wait3A_19 = tpu.memref_slice %arg6[%arg0, %mul3A_14, %dma_wait3A] : memref<2x10112x128xf32, #tpu.memory_space<hbm>> -> memref<1x632x128xf32, #tpu.memory_space<hbm>>
      %dma_wait3A_20 = tpu.memref_squeeze %dma_wait3A_19 : memref<1x632x128xf32, #tpu.memory_space<hbm>> -> memref<632x128xf32, #tpu.memory_space<hbm>>
      %dma_wait3A_21 = arith.constant 0 : i32
      %dma_wait3A_22 = tpu.memref_slice %arg10[%mul3A_12, %dma_wait3A_21] : memref<10112x128xf32, #tpu.memory_space<vmem_shared>> -> memref<632x128xf32, #tpu.memory_space<vmem_shared>>
      tpu.wait_dma2 semaphore(%run_scoped3A : memref<!tpu.dma_semaphore, #tpu.memory_space<semaphore_mem>>) src(%dma_wait3A_22 : memref<632x128xf32, #tpu.memory_space<vmem_shared>>) dst(%dma_wait3A_20 : memref<632x128xf32, #tpu.memory_space<hbm>>)
      tpu.yield
    }) : () -> ()
    return
  }
}

module attributes {stable_mosaic.version = 14 : i64} {
  func.func @_pre_body(%arg0: memref<10000x128xf32, #tpu.memory_space<vmem>>, %arg1: memref<128x128xf32, #tpu.memory_space<vmem>>, %arg2: memref<128xf32, #tpu.memory_space<vmem>>, %arg3: memref<128xf32, #tpu.memory_space<vmem>>, %arg4: memref<128xf32, #tpu.memory_space<vmem>>, %arg5: memref<128x128xf32, #tpu.memory_space<vmem>>, %arg6: memref<10000x128xf32, #tpu.memory_space<vmem>>, %arg7: memref<10000x128xf32, #tpu.memory_space<vmem>>) attributes {dimension_semantics = [], scalar_prefetch = 0 : i64, scratch_operands = 0 : i64, tpu.core_type = #tpu.core_type<tc>} {
    %get3A = arith.constant 0 : index
    %get3A_0 = arith.constant 0 : index
    %get3A_1 = vector.load %arg0[%get3A, %get3A_0] : memref<10000x128xf32, #tpu.memory_space<vmem>>, vector<10000x128xf32>
    %get3A_2 = arith.constant 0 : index
    %get3A_3 = arith.constant 0 : index
    %get3A_4 = vector.load %arg1[%get3A_2, %get3A_3] : memref<128x128xf32, #tpu.memory_space<vmem>>, vector<128x128xf32>
    %dot_general3A = arith.constant dense<0.000000e+00> : vector<10000x128xf32>
    %dot_general3A_5 = tpu.matmul %get3A_1, %get3A_4, %dot_general3A {dimension_numbers = #tpu.dot_dimension_numbers<[1], [1], [0], [0], [0, 0, 1, 0], [], []>, transpose_lhs_hint = false} : vector<10000x128xf32>, vector<128x128xf32>, vector<10000x128xf32> -> vector<10000x128xf32>
    %get3A_6 = arith.constant 0 : index
    %get3A_7 = vector.load %arg2[%get3A_6] : memref<128xf32, #tpu.memory_space<vmem>>, vector<128xf32>
    %broadcast_in_dim3A = vector.shape_cast %get3A_7 : vector<128xf32> to vector<1x128xf32>
    %add3A = vector.broadcast %broadcast_in_dim3A : vector<1x128xf32> to vector<10000x128xf32>
    %add3A_8 = arith.addf %dot_general3A_5, %add3A : vector<10000x128xf32>
    %get3A_9 = arith.constant 0 : index
    %get3A_10 = vector.load %arg3[%get3A_9] : memref<128xf32, #tpu.memory_space<vmem>>, vector<128xf32>
    %get3A_11 = arith.constant 0 : index
    %get3A_12 = vector.load %arg4[%get3A_11] : memref<128xf32, #tpu.memory_space<vmem>>, vector<128xf32>
    %reduce_sum3A = arith.constant dense<0.000000e+00> : vector<128xf32>
    %reduce_sum3A_13 = vector.multi_reduction <add>, %add3A_8, %reduce_sum3A [0] : vector<10000x128xf32> to vector<128xf32>
    %broadcast_in_dim3A_14 = vector.shape_cast %reduce_sum3A_13 : vector<128xf32> to vector<1x128xf32>
    %div3A = arith.constant 1.000000e+04 : f32
    %div3A_15 = vector.broadcast %div3A : f32 to vector<1x128xf32>
    %div3A_16 = arith.divf %broadcast_in_dim3A_14, %div3A_15 : vector<1x128xf32>
    %sub3A = vector.broadcast %div3A_16 : vector<1x128xf32> to vector<10000x128xf32>
    %sub3A_17 = arith.subf %add3A_8, %sub3A : vector<10000x128xf32>
    %integer_pow3A = arith.mulf %sub3A_17, %sub3A_17 : vector<10000x128xf32>
    %reduce_sum3A_18 = arith.constant dense<0.000000e+00> : vector<128xf32>
    %reduce_sum3A_19 = vector.multi_reduction <add>, %integer_pow3A, %reduce_sum3A_18 [0] : vector<10000x128xf32> to vector<128xf32>
    %broadcast_in_dim3A_20 = vector.shape_cast %reduce_sum3A_19 : vector<128xf32> to vector<1x128xf32>
    %div3A_21 = arith.constant 1.000000e+04 : f32
    %div3A_22 = vector.broadcast %div3A_21 : f32 to vector<1x128xf32>
    %div3A_23 = arith.divf %broadcast_in_dim3A_20, %div3A_22 : vector<1x128xf32>
    %sub3A_24 = vector.broadcast %div3A_16 : vector<1x128xf32> to vector<10000x128xf32>
    %sub3A_25 = arith.subf %add3A_8, %sub3A_24 : vector<10000x128xf32>
    %add3A_26 = arith.constant 9.99999974E-6 : f32
    %add3A_27 = vector.broadcast %add3A_26 : f32 to vector<1x128xf32>
    %add3A_28 = arith.addf %div3A_23, %add3A_27 : vector<1x128xf32>
    %rsqrt3A = math.rsqrt %add3A_28 : vector<1x128xf32>
    %mul3A = vector.broadcast %rsqrt3A : vector<1x128xf32> to vector<10000x128xf32>
    %mul3A_29 = arith.mulf %sub3A_25, %mul3A : vector<10000x128xf32>
    %broadcast_in_dim3A_30 = vector.shape_cast %get3A_10 : vector<128xf32> to vector<1x128xf32>
    %mul3A_31 = vector.broadcast %broadcast_in_dim3A_30 : vector<1x128xf32> to vector<10000x128xf32>
    %mul3A_32 = arith.mulf %mul3A_29, %mul3A_31 : vector<10000x128xf32>
    %broadcast_in_dim3A_33 = vector.shape_cast %get3A_12 : vector<128xf32> to vector<1x128xf32>
    %add3A_34 = vector.broadcast %broadcast_in_dim3A_33 : vector<1x128xf32> to vector<10000x128xf32>
    %add3A_35 = arith.addf %mul3A_32, %add3A_34 : vector<10000x128xf32>
    %max3A = arith.constant 0.000000e+00 : f32
    %max3A_36 = vector.broadcast %max3A : f32 to vector<10000x128xf32>
    %max3A_37 = arith.maximumf %add3A_35, %max3A_36 : vector<10000x128xf32>
    %swap3A = arith.constant 0 : index
    %swap3A_38 = arith.constant 0 : index
    %swap3A_39 = vector.load %arg6[%swap3A, %swap3A_38] : memref<10000x128xf32, #tpu.memory_space<vmem>>, vector<10000x128xf32>
    tpu.vector_store %arg6[%swap3A, %swap3A_38], %max3A_37 {strides = array<i32>} : memref<10000x128xf32, #tpu.memory_space<vmem>>, vector<10000x128xf32>,
    %get3A_40 = arith.constant 0 : index
    %get3A_41 = arith.constant 0 : index
    %get3A_42 = vector.load %arg5[%get3A_40, %get3A_41] : memref<128x128xf32, #tpu.memory_space<vmem>>, vector<128x128xf32>
    %dot_general3A_43 = arith.constant dense<0.000000e+00> : vector<10000x128xf32>
    %dot_general3A_44 = tpu.matmul %max3A_37, %get3A_42, %dot_general3A_43 {dimension_numbers = #tpu.dot_dimension_numbers<[1], [1], [0], [0], [0, 0, 1, 0], [], []>, transpose_lhs_hint = false} : vector<10000x128xf32>, vector<128x128xf32>, vector<10000x128xf32> -> vector<10000x128xf32>
    %swap3A_45 = arith.constant 0 : index
    %swap3A_46 = arith.constant 0 : index
    %swap3A_47 = vector.load %arg7[%swap3A_45, %swap3A_46] : memref<10000x128xf32, #tpu.memory_space<vmem>>, vector<10000x128xf32>
    tpu.vector_store %arg7[%swap3A_45, %swap3A_46], %dot_general3A_44 {strides = array<i32>} : memref<10000x128xf32, #tpu.memory_space<vmem>>, vector<10000x128xf32>,
    return
  }
}

module attributes {stable_mosaic.version = 14 : i64} {
  func.func @_scale_body(%arg0: memref<10000x128xf32, #tpu.memory_space<vmem>>, %arg1: memref<2x10112x16xf32, #tpu.memory_space<vmem>>, %arg2: memref<10000x128xf32, #tpu.memory_space<vmem>>) attributes {dimension_semantics = [], scalar_prefetch = 0 : i64, scratch_operands = 0 : i64, tpu.core_type = #tpu.core_type<tc>} {
    %get3A = arith.constant 0 : index
    %get3A_0 = arith.constant 0 : index
    %get3A_1 = arith.constant 0 : index
    %get3A_2 = vector.load %arg1[%get3A, %get3A_0, %get3A_1] : memref<2x10112x16xf32, #tpu.memory_space<vmem>>, vector<1x10000x1xf32>
    %get3A_3 = vector.shape_cast %get3A_2 : vector<1x10000x1xf32> to vector<10000x1xf32>
    %get3A_4 = arith.constant 1 : index
    %get3A_5 = arith.constant 0 : index
    %get3A_6 = arith.constant 0 : index
    %get3A_7 = vector.load %arg1[%get3A_4, %get3A_5, %get3A_6] : memref<2x10112x16xf32, #tpu.memory_space<vmem>>, vector<1x10000x1xf32>
    %get3A_8 = vector.shape_cast %get3A_7 : vector<1x10000x1xf32> to vector<10000x1xf32>
    %add3A = arith.addf %get3A_3, %get3A_8 : vector<10000x1xf32>
    %add3A_9 = arith.constant 1.000000e+00 : f32
    %add3A_10 = vector.broadcast %add3A_9 : f32 to vector<10000x1xf32>
    %add3A_11 = arith.addf %add3A, %add3A_10 : vector<10000x1xf32>
    %get3A_12 = arith.constant 0 : index
    %get3A_13 = arith.constant 0 : index
    %get3A_14 = vector.load %arg0[%get3A_12, %get3A_13] : memref<10000x128xf32, #tpu.memory_space<vmem>>, vector<10000x128xf32>
    %rsqrt3A = math.rsqrt %add3A_11 : vector<10000x1xf32>
    %mul3A = vector.broadcast %rsqrt3A : vector<10000x1xf32> to vector<10000x128xf32>
    %mul3A_15 = arith.mulf %get3A_14, %mul3A : vector<10000x128xf32>
    %swap3A = arith.constant 0 : index
    %swap3A_16 = arith.constant 0 : index
    %swap3A_17 = vector.load %arg2[%swap3A, %swap3A_16] : memref<10000x128xf32, #tpu.memory_space<vmem>>, vector<10000x128xf32>
    tpu.vector_store %arg2[%swap3A, %swap3A_16], %mul3A_15 {strides = array<i32>} : memref<10000x128xf32, #tpu.memory_space<vmem>>, vector<10000x128xf32>,
    return
  }
}

module attributes {stable_mosaic.version = 14 : i64} {
  func.func @_post_body(%arg0: memref<2x10112x128xf32, #tpu.memory_space<vmem>>, %arg1: memref<2x10112x16xf32, #tpu.memory_space<vmem>>, %arg2: memref<10000x128xf32, #tpu.memory_space<vmem>>, %arg3: memref<10000x128xf32, #tpu.memory_space<vmem>>, %arg4: memref<128x128xf32, #tpu.memory_space<vmem>>, %arg5: memref<128xf32, #tpu.memory_space<vmem>>, %arg6: memref<128xf32, #tpu.memory_space<vmem>>, %arg7: memref<128xf32, #tpu.memory_space<vmem>>, %arg8: memref<128x128xf32, #tpu.memory_space<vmem>>, %arg9: memref<128xf32, #tpu.memory_space<vmem>>, %arg10: memref<10000x128xf32, #tpu.memory_space<vmem>>) attributes {dimension_semantics = [], scalar_prefetch = 0 : i64, scratch_operands = 0 : i64, tpu.core_type = #tpu.core_type<tc>} {
    %get3A = arith.constant 0 : index
    %get3A_0 = arith.constant 0 : index
    %get3A_1 = arith.constant 0 : index
    %get3A_2 = vector.load %arg1[%get3A, %get3A_0, %get3A_1] : memref<2x10112x16xf32, #tpu.memory_space<vmem>>, vector<1x10000x1xf32>
    %get3A_3 = vector.shape_cast %get3A_2 : vector<1x10000x1xf32> to vector<10000x1xf32>
    %get3A_4 = arith.constant 1 : index
    %get3A_5 = arith.constant 0 : index
    %get3A_6 = arith.constant 0 : index
    %get3A_7 = vector.load %arg1[%get3A_4, %get3A_5, %get3A_6] : memref<2x10112x16xf32, #tpu.memory_space<vmem>>, vector<1x10000x1xf32>
    %get3A_8 = vector.shape_cast %get3A_7 : vector<1x10000x1xf32> to vector<10000x1xf32>
    %add3A = arith.addf %get3A_3, %get3A_8 : vector<10000x1xf32>
    %add3A_9 = arith.constant 1.000000e+00 : f32
    %add3A_10 = vector.broadcast %add3A_9 : f32 to vector<10000x1xf32>
    %add3A_11 = arith.addf %add3A, %add3A_10 : vector<10000x1xf32>
    %get3A_12 = arith.constant 0 : index
    %get3A_13 = arith.constant 0 : index
    %get3A_14 = arith.constant 0 : index
    %get3A_15 = vector.load %arg0[%get3A_12, %get3A_13, %get3A_14] : memref<2x10112x128xf32, #tpu.memory_space<vmem>>, vector<1x10000x128xf32>
    %get3A_16 = vector.shape_cast %get3A_15 : vector<1x10000x128xf32> to vector<10000x128xf32>
    %get3A_17 = arith.constant 1 : index
    %get3A_18 = arith.constant 0 : index
    %get3A_19 = arith.constant 0 : index
    %get3A_20 = vector.load %arg0[%get3A_17, %get3A_18, %get3A_19] : memref<2x10112x128xf32, #tpu.memory_space<vmem>>, vector<1x10000x128xf32>
    %get3A_21 = vector.shape_cast %get3A_20 : vector<1x10000x128xf32> to vector<10000x128xf32>
    %add3A_22 = arith.addf %get3A_16, %get3A_21 : vector<10000x128xf32>
    %get3A_23 = arith.constant 0 : index
    %get3A_24 = arith.constant 0 : index
    %get3A_25 = vector.load %arg2[%get3A_23, %get3A_24] : memref<10000x128xf32, #tpu.memory_space<vmem>>, vector<10000x128xf32>
    %add3A_26 = arith.addf %add3A_22, %get3A_25 : vector<10000x128xf32>
    %rsqrt3A = math.rsqrt %add3A_11 : vector<10000x1xf32>
    %mul3A = vector.broadcast %rsqrt3A : vector<10000x1xf32> to vector<10000x128xf32>
    %mul3A_27 = arith.mulf %add3A_26, %mul3A : vector<10000x128xf32>
    %get3A_28 = arith.constant 0 : index
    %get3A_29 = arith.constant 0 : index
    %get3A_30 = vector.load %arg4[%get3A_28, %get3A_29] : memref<128x128xf32, #tpu.memory_space<vmem>>, vector<128x128xf32>
    %dot_general3A = arith.constant dense<0.000000e+00> : vector<10000x128xf32>
    %dot_general3A_31 = tpu.matmul %mul3A_27, %get3A_30, %dot_general3A {dimension_numbers = #tpu.dot_dimension_numbers<[1], [1], [0], [0], [0, 0, 1, 0], [], []>, transpose_lhs_hint = false} : vector<10000x128xf32>, vector<128x128xf32>, vector<10000x128xf32> -> vector<10000x128xf32>
    %get3A_32 = arith.constant 0 : index
    %get3A_33 = vector.load %arg5[%get3A_32] : memref<128xf32, #tpu.memory_space<vmem>>, vector<128xf32>
    %broadcast_in_dim3A = vector.shape_cast %get3A_33 : vector<128xf32> to vector<1x128xf32>
    %add3A_34 = vector.broadcast %broadcast_in_dim3A : vector<1x128xf32> to vector<10000x128xf32>
    %add3A_35 = arith.addf %dot_general3A_31, %add3A_34 : vector<10000x128xf32>
    %get3A_36 = arith.constant 0 : index
    %get3A_37 = vector.load %arg6[%get3A_36] : memref<128xf32, #tpu.memory_space<vmem>>, vector<128xf32>
    %get3A_38 = arith.constant 0 : index
    %get3A_39 = vector.load %arg7[%get3A_38] : memref<128xf32, #tpu.memory_space<vmem>>, vector<128xf32>
    %reduce_sum3A = arith.constant dense<0.000000e+00> : vector<128xf32>
    %reduce_sum3A_40 = vector.multi_reduction <add>, %add3A_35, %reduce_sum3A [0] : vector<10000x128xf32> to vector<128xf32>
    %broadcast_in_dim3A_41 = vector.shape_cast %reduce_sum3A_40 : vector<128xf32> to vector<1x128xf32>
    %div3A = arith.constant 1.000000e+04 : f32
    %div3A_42 = vector.broadcast %div3A : f32 to vector<1x128xf32>
    %div3A_43 = arith.divf %broadcast_in_dim3A_41, %div3A_42 : vector<1x128xf32>
    %sub3A = vector.broadcast %div3A_43 : vector<1x128xf32> to vector<10000x128xf32>
    %sub3A_44 = arith.subf %add3A_35, %sub3A : vector<10000x128xf32>
    %integer_pow3A = arith.mulf %sub3A_44, %sub3A_44 : vector<10000x128xf32>
    %reduce_sum3A_45 = arith.constant dense<0.000000e+00> : vector<128xf32>
    %reduce_sum3A_46 = vector.multi_reduction <add>, %integer_pow3A, %reduce_sum3A_45 [0] : vector<10000x128xf32> to vector<128xf32>
    %broadcast_in_dim3A_47 = vector.shape_cast %reduce_sum3A_46 : vector<128xf32> to vector<1x128xf32>
    %div3A_48 = arith.constant 1.000000e+04 : f32
    %div3A_49 = vector.broadcast %div3A_48 : f32 to vector<1x128xf32>
    %div3A_50 = arith.divf %broadcast_in_dim3A_47, %div3A_49 : vector<1x128xf32>
    %sub3A_51 = vector.broadcast %div3A_43 : vector<1x128xf32> to vector<10000x128xf32>
    %sub3A_52 = arith.subf %add3A_35, %sub3A_51 : vector<10000x128xf32>
    %add3A_53 = arith.constant 9.99999974E-6 : f32
    %add3A_54 = vector.broadcast %add3A_53 : f32 to vector<1x128xf32>
    %add3A_55 = arith.addf %div3A_50, %add3A_54 : vector<1x128xf32>
    %rsqrt3A_56 = math.rsqrt %add3A_55 : vector<1x128xf32>
    %mul3A_57 = vector.broadcast %rsqrt3A_56 : vector<1x128xf32> to vector<10000x128xf32>
    %mul3A_58 = arith.mulf %sub3A_52, %mul3A_57 : vector<10000x128xf32>
    %broadcast_in_dim3A_59 = vector.shape_cast %get3A_37 : vector<128xf32> to vector<1x128xf32>
    %mul3A_60 = vector.broadcast %broadcast_in_dim3A_59 : vector<1x128xf32> to vector<10000x128xf32>
    %mul3A_61 = arith.mulf %mul3A_58, %mul3A_60 : vector<10000x128xf32>
    %broadcast_in_dim3A_62 = vector.shape_cast %get3A_39 : vector<128xf32> to vector<1x128xf32>
    %add3A_63 = vector.broadcast %broadcast_in_dim3A_62 : vector<1x128xf32> to vector<10000x128xf32>
    %add3A_64 = arith.addf %mul3A_61, %add3A_63 : vector<10000x128xf32>
    %max3A = arith.constant 0.000000e+00 : f32
    %max3A_65 = vector.broadcast %max3A : f32 to vector<10000x128xf32>
    %max3A_66 = arith.maximumf %add3A_64, %max3A_65 : vector<10000x128xf32>
    %get3A_67 = arith.constant 0 : index
    %get3A_68 = arith.constant 0 : index
    %get3A_69 = vector.load %arg3[%get3A_67, %get3A_68] : memref<10000x128xf32, #tpu.memory_space<vmem>>, vector<10000x128xf32>
    %max3A_70 = arith.maximumf %get3A_69, %max3A_66 : vector<10000x128xf32>
    %get3A_71 = arith.constant 0 : index
    %get3A_72 = arith.constant 0 : index
    %get3A_73 = vector.load %arg8[%get3A_71, %get3A_72] : memref<128x128xf32, #tpu.memory_space<vmem>>, vector<128x128xf32>
    %dot_general3A_74 = arith.constant dense<0.000000e+00> : vector<10000x128xf32>
    %dot_general3A_75 = tpu.matmul %max3A_70, %get3A_73, %dot_general3A_74 {dimension_numbers = #tpu.dot_dimension_numbers<[1], [1], [0], [0], [0, 0, 1, 0], [], []>, transpose_lhs_hint = false} : vector<10000x128xf32>, vector<128x128xf32>, vector<10000x128xf32> -> vector<10000x128xf32>
    %get3A_76 = arith.constant 0 : index
    %get3A_77 = vector.load %arg9[%get3A_76] : memref<128xf32, #tpu.memory_space<vmem>>, vector<128xf32>
    %broadcast_in_dim3A_78 = vector.shape_cast %get3A_77 : vector<128xf32> to vector<1x128xf32>
    %add3A_79 = vector.broadcast %broadcast_in_dim3A_78 : vector<1x128xf32> to vector<10000x128xf32>
    %add3A_80 = arith.addf %dot_general3A_75, %add3A_79 : vector<10000x128xf32>
    %swap3A = arith.constant 0 : index
    %swap3A_81 = arith.constant 0 : index
    %swap3A_82 = vector.load %arg10[%swap3A, %swap3A_81] : memref<10000x128xf32, #tpu.memory_space<vmem>>, vector<10000x128xf32>
    tpu.vector_store %arg10[%swap3A, %swap3A_81], %add3A_80 {strides = array<i32>} : memref<10000x128xf32, #tpu.memory_space<vmem>>, vector<10000x128xf32>,
    return
  }
}

</mosaic_0001>

<sc_bundles>
// kernel: kernel.10.cloned.1.call-start
scs
__scs_entry_jumppad:
0x0: {  	(pc) =	sbr.rel $0x88, $3  }
0x1: {  	(tag) =	ssettag $0x0;
	lr =	simm.s32 $0x1  }
0x2: {  	[smem:$0x3F94] =	sst lr;
	_ =	strace $0xD0000000  }
0x3: {  	_ = 	snop  }
0x4: {  	_ = 	snop  }
0x5: {  	_ = 	snop  }
0x6: {  	_ = 	snop  }
0x7: {  	_ = 	snop  }
__scs_overlays_trampoline_lowered:
0x8: {  	[smem:$0x3FA3] =	sst s0  }
0x9: {  	[smem:$0x3FA4] =	sst s1  }
0xa: {  	[smem:$0x3FA5] =	sst s2  }
0xb: {  	[smem:$0x3FA6] =	sst s3  }
0xc: {  	[smem:$0x3FA7] =	sst s4  }
0xd: {  	[smem:$0x3FA8] =	sst s5  }
0xe: {  	[smem:$0x3FA9] =	sst s6  }
0xf: {  	[smem:$0x3FAA] =	sst s7  }
0x10: {  	[smem:$0x3FAB] =	sst s8  }
0x11: {  	[smem:$0x3FAC] =	sst s9;
	s0 =	simm.s32 @!p0 $0x0  }
0x12: {  	s1 =	sld [smem:$0x3F92];
	s0 =	simm.s32 @p0 $0x1  }
0x13: {  	[smem:$0x3FAD] =	sst s0;
	s0 =	simm.s32 @!p1 $0x0  }
0x14: {  	s2 =	sld [smem:$0x3F91];
	s0 =	simm.s32 @p1 $0x1  }
0x15: {  	[smem:$0x3FAE] =	sst s0;
	s0 =	simm.s32 @!p2 $0x0  }
0x16: {  	s3 =	sld [smem:$0x3FDB];
	s0 =	simm.s32 @p2 $0x1  }
0x17: {  	s4 =	simm.s32 $0x1BF5;
	[smem:$0x3FB0] =	sst s0  }
0x18: {  	s0 =	sld [smem:$0x3F93];
	_ =	swait.ge [sflag:s4], $0x0  }
0x19: {  	s7 =	sld [smem:$0x3F94]  }
0x1a: {  	s8 =	sadd.s32 $0xFFFFE003, lr  }
0x1b: {  	s9 =	sadd.s32 $0xFFFFFEF7, lr;
	s5 =	simm.s32 $0xFFFFFFFF;
	p2 =	slt.u32 s8, $0xFFFFF086  }
0x1c: {  	p1 =	slt.u32 s9, $0xF7A;
	s5 =	simm.s32 @!p2 $0x0  }
0x1d: {  	s5 =	simm.s32 @p1 $0x1;
	p0 =	seq.s32 s7, s2  }
0x1e: {  	s7 =	smul.u32 @!p0 $0xF7A, s2;
	p2 =	seq.s32 @!p0 s5, $0x0  }
0x1f: {  	s9 =	smul.u32 $0xF7A, s1;
	s8 =	simm.s32 @!p0 $0x1BF5;
	p2 =	por !p2, p0  }
0x20: {  	[sflag:s8] =	ssyncset.s32 @!p0 $0xFFFFF086;
	s6 =	sadd.s32 @!p0 s3, s7;
	s7 =	simm.s32 @!p0 $0x108  }
0x21: {  	s3 =	sadd.s32 s3, s9;
	s6 =	sadd.s32 @!p0 $0x88, s6;
	s7 =	simm.s32 @p2 $0x1082  }
0x22: {  	[simem:s7], [sflag:s8] =	dma.local @!p0 [hbm:s6], $0xF7A  }
0x23: {  	s9 =	sor.u32 $0xD0000000, s2;
	s6 =	simm.s32 $0x108;
	_ =	swait.ge @!p0 [sflag:s8], $0x0  }
0x24: {  	s3 =	sadd.s32 $0x88, s3;
	s6 =	simm.s32 @!p1 $0x1082;
	[sflag:s4] =	ssyncset.s32 $0xFFFFF086  }
0x25: {  	[simem:s6], [sflag:s4] =	dma.local [hbm:s3], $0xF7A  }
0x26: {  	[smem:$0x3F94] =	sst s1;
	(tag) =	ssettag s2;
	_ =	strace s9  }
0x27: {  	s1 =	sld [smem:$0x3FA4]  }
0x28: {  	s2 =	sld [smem:$0x3FA5]  }
0x29: {  	s4 =	sld [smem:$0x3FA7]  }
0x2a: {  	p0 =	seq.s32 s5, $0x0;
	s5 =	sld [smem:$0x3FA8]  }
0x2b: {  	s6 =	sld [smem:$0x3FA9]  }
0x2c: {  	s7 =	sld [smem:$0x3FAA]  }
0x2d: {  	s3 =	simm.s32 $0x108;
	s8 =	sld [smem:$0x3FAB]  }
0x2e: {  	s3 =	simm.s32 @!p0 $0x1082;
	s9 =	sld [smem:$0x3FAC]  }
0x2f: {  	lr =	sadd.s32 s0, s3;
	s0 =	sld [smem:$0x3FA3]  }
0x30: {  	s3 =	sld [smem:$0x3FA6]  }
0x31: {  	[smem:$0x3FAF] =	sst s10  }
0x32: {  	s10 =	sld [smem:$0x3FAD];
	_ =	sdelay $0x3  }
0x33: {  	p0 =	seq.s32 s10, $0x1;
	s10 =	sld [smem:$0x3FAF];
	_ =	sdelay $0x3  }
0x34: {  	[smem:$0x3FAF] =	sst s10  }
0x35: {  	s10 =	sld [smem:$0x3FAE];
	_ =	sdelay $0x3  }
0x36: {  	p1 =	seq.s32 s10, $0x1;
	s10 =	sld [smem:$0x3FAF];
	_ =	sdelay $0x3  }
0x37: {  	[smem:$0x3FAF] =	sst s10  }
0x38: {  	s10 =	sld [smem:$0x3FB0]  }
0x39: {  	_ = 	snop;
	(pc) =	sbr.ind lr, $3  }
0x3a: {  	_ = 	snop  }
0x3b: {  	_ = 	snop  }
0x3c: {  	p2 =	seq.s32 s10, $0x1;
	s10 =	sld [smem:$0x3FAF]  }
0x3d: {  	_ =	shalt  }
0x3e: {  	_ =	shalt  }
0x3f: {  	_ =	shalt  }
0x40: {  	_ =	shalt  }
0x41: {  	_ =	shalt  }
0x42: {  	_ =	shalt  }
0x43: {  	_ =	shalt  }
0x44: {  	_ =	shalt  }
0x45: {  	_ =	shalt  }
0x46: {  	_ =	shalt  }
0x47: {  	_ =	shalt  }
0x48: {  	_ =	shalt  }
0x49: {  	_ =	shalt  }
0x4a: {  	_ =	shalt  }
0x4b: {  	_ =	shalt  }
0x4c: {  	_ =	shalt  }
0x4d: {  	_ =	shalt  }
0x4e: {  	_ =	shalt  }
0x4f: {  	_ =	shalt  }
0x50: {  	_ =	shalt  }
0x51: {  	_ =	shalt  }
0x52: {  	_ =	shalt  }
0x53: {  	_ =	shalt  }
0x54: {  	_ =	shalt  }
0x55: {  	_ =	shalt  }
0x56: {  	_ =	shalt  }
0x57: {  	_ =	shalt  }
0x58: {  	_ =	shalt  }
0x59: {  	_ =	shalt  }
0x5a: {  	_ =	shalt  }
0x5b: {  	_ =	shalt  }
0x5c: {  	_ =	shalt  }
0x5d: {  	_ =	shalt  }
0x5e: {  	_ =	shalt  }
0x5f: {  	_ =	shalt  }
0x60: {  	_ =	shalt  }
0x61: {  	_ =	shalt  }
0x62: {  	_ =	shalt  }
0x63: {  	_ =	shalt  }
0x64: {  	_ =	shalt  }
0x65: {  	_ =	shalt  }
0x66: {  	_ =	shalt  }
0x67: {  	_ =	shalt  }
0x68: {  	_ =	shalt  }
0x69: {  	_ =	shalt  }
0x6a: {  	_ =	shalt  }
0x6b: {  	_ =	shalt  }
0x6c: {  	_ =	shalt  }
0x6d: {  	_ =	shalt  }
0x6e: {  	_ =	shalt  }
0x6f: {  	_ =	shalt  }
0x70: {  	_ =	shalt  }
0x71: {  	_ =	shalt  }
0x72: {  	_ =	shalt  }
0x73: {  	_ =	shalt  }
0x74: {  	_ =	shalt  }
0x75: {  	_ =	shalt  }
0x76: {  	_ =	shalt  }
0x77: {  	_ =	shalt  }
0x78: {  	_ =	shalt  }
0x79: {  	_ =	shalt  }
0x7a: {  	_ =	shalt  }
0x7b: {  	_ =	shalt  }
0x7c: {  	_ =	shalt  }
0x7d: {  	_ =	shalt  }
0x7e: {  	_ =	shalt  }
0x7f: {  	_ =	shalt  }
0x80: {  	_ =	shalt  }
0x81: {  	_ =	shalt  }
0x82: {  	_ =	shalt  }
0x83: {  	_ =	shalt  }
0x84: {  	_ =	shalt  }
0x85: {  	_ =	shalt  }
0x86: {  	_ =	shalt  }
0x87: {  	_ =	shalt  }
.Lfunc_end0:
.L_simem_size_0:
called_computation.1_lowered:
.L_overlay_start_0:
0x88: {  	s2 =	sld [smem:$0x3FD9]  }
0x89: {  	s3 =	sld [smem:$0x3FFE];
	_ =	sdelay $0x1  }
0x8a: {  	s1 =	srdreg.scid  }
0x8b: {  	s0 =	sand.u32 $0x1, s1  }
0x8c: {  	s17 =	sshll.u32 s0, $0xA;
	s2 =	sadd.s32 s3, s2  }
0x8d: {  	s2 =	sadd.s32 s2, s17  }
0x8e: {  	[smem:$0x3FBB] =	sst s2  }
0x8f: {  	_ = 	snop  }
0x90: {  	s2 =	sld [smem:$0x3FD0];
	(tm) =	ssettm $0x1  }
0x91: {  	s18 =	sld [smem:$0x3FFB];
	_ =	sdelay $0x3  }
0x92: {  	_ =	strace s18  }
0x93: {  	s3 =	sld [smem:$0x3FFC];
	_ =	sdelay $0x3  }
0x94: {  	_ =	strace s3  }
0x95: {  	s3 =	sld [smem:$0x3FFD];
	_ =	sdelay $0x3  }
0x96: {  	_ =	strace s3  }
0x97: {  	_ =	strace $0x8FFFFFFF  }
0x98: {  	s19 =	sld [smem:$0x3FDB];
	_ =	sdelay $0x1  }
0x99: {  	s4 =	simm.s32 $_scs_section_size  }
0x9a: {  	s5 =	simm.s32 $_size__tile_overlayer_lowered;
	s6 =	simm.s32 $_tile_overlayer_lowered  }
0x9b: {  	s22 =	simm.s32 $0x1BFF;
	s21 =	sshll.u32 s6, $0x1;
	s3 =	sadd.s32 s4, s19  }
0x9c: {  	s7 =	simm.s32 $0x0;
	s20 =	sshll.u32 s5, $0x1;
	s5 =	sadd.s32 s21, s3  }
0x9d: {  	[timem:s7], [sflag:s22] =	dma.local [hbm:s5], s20  }
0x9e: {  	_ =	swait.ge [sflag:s22], s20  }
0x9f: {  	s4 =	ssub.s32 $0x0, s20;
	[sflag:s22] =	ssyncset.done $0x0  }
0xa0: {  	[sflag:s22] =	ssyncadd.s32 s4;
	_ =	sdelay $0x1  }
0xa1: {  	s23 =	simm.s32 $0x1B8B  }
0xa2: {  	_ =	swait.ge [sflag:s23], $0x1  }
0xa3: {  	[sflag:s23] =	ssyncset.done $0x0  }
0xa4: {  	s25 =	simm.s32 $0x1B8E;
	s24 =	sld [smem:$0x3FFE];
	[sflag:s23] =	ssyncadd.s32 $0xFFFFFFFF  }
0xa5: {  	s26 =	simm.s32 $execute0_lowered;
	[smem:$0x3FD2] =	sst s25  }
0xa6: {  	s5 =	sshll.u32 s26, $0x1;
	_ =	strace $0x80000049;
	[dreg:$0x1] =	wrdreg $0xFFFFFFFF  }
0xa7: {  	s28 =	simm.s32 $_size_execute0_lowered;
	s3 =	sadd.s32 s3, s5;
	[dreg:$0x0] =	wrdreg $0x0  }
0xa8: {  	s5 =	sshll.u32 s28, $0x1;
	[dreg:$0x2] =	wrdreg s3  }
0xa9: {  	[dreg:$0x3] =	wrdreg s5  }
0xaa: {  	[dreg:$0x4] =	wrdreg $0xC0  }
0xab: {  	_ =	task [dreg:s7], $0x5FFFF  }
0xac: {  	[dreg:$0x1] =	wrdreg $0xFFFFFFFF  }
0xad: {  	[dreg:$0x0] =	wrdreg $0x60  }
0xae: {  	[dreg:$0x2] =	wrdreg s2  }
0xaf: {  	[dreg:$0x3] =	wrdreg s24  }
0xb0: {  	[dreg:$0x4] =	wrdreg $0x90000  }
0xb1: {  	[dreg:$0x5] =	wrdreg $0x9  }
0xb2: {  	_ =	task.clear_ibuf [dreg:s7], $0x6FFFF;
	_ =	strace $0x90000049  }
0xb3: {  	s29 =	simm.s32 $0x9;
	_ =	strace $0x8000004B  }
0xb4: {  	_ =	swait.ge [sflag:s29], $0x1  }
0xb5: {  	[sflag:s29] =	ssyncadd.s32 $0xFFFFFFFF  }
0xb6: {  	_ =	strace $0x9000004B  }
0xb7: {  	_ =	sfence  }
0xb8: {  	s30 =	sld [smem:$0x0];
	_ =	sdelay $0x2  }
0xb9: {  	s31 =	sshll.u32 s1, $0xD;
	s1 =	sshrl.u32 s1, $0x2  }
0xba: {  	s3 =	sand.u32 $0x4000, s31;
	s1 =	sadd.s32 s1, s30  }
0xbb: {  	s0 =	sor.u32 s3, s0;
	s1 =	sshll.u32 s1, $0x11  }
0xbc: {  	s0 =	sor.u32 s1, s0  }
0xbd: {  	s0 =	sadd.s32 $0x8F2B, s0  }
0xbe: {  	[sflag:s0] =	ssyncadd.remote.s32 $0x1  }
0xbf: {  	_ =	sfence.sel $0xFFFF  }
0xc0: {  	[dreg:$0x0] =	wrdreg $0xFFFFFFFF;
	(pc) =	sbr.abs _section_cstart, $3  }
0xc1: {  	[dreg:$0x1] =	wrdreg $0xFFFFFFFF  }
0xc2: {  	_ =	task.clear_ibuf [dreg:s7], $0x2FFFF;
	_ =	strace $0x9FFFFFFF  }
0xc3: {  	(tm) =	ssettm $0x7FFFFFFF  }
tec
execute0_lowered:
.L_overlay_start_1:
0x0: {  	(tag) =	ssettag $0x1  }
0x1: {  	s1 =	rddreg [dreg:$0x0]  }
0x2: {  	s2 =	srdreg.scid;
	s6 =	rddreg [dreg:$0x1]  }
0x3: {  	s0 =	stileid.u32;
	s3 =	rddreg [dreg:$0x2]  }
0x4: {  	s4 =	simm.s32 $0x0;
	s14 =	simm.s32 $0x80;
	s15 =	simm.s32 $0x5000  }
0x5: {  	s16 =	simm.s32 $0x1;
	s17 =	simm.s32 $0x0;
	s8 =	smul.u32 $0x13C00, s0  }
0x6: {  	s5 =	sand.u32 $0x1, s2;
	s26 =	sshll.u32 s0, $0x1;
	s29 =	smul.u32 $0x4F000, s0  }
0x7: {  	[smem:$0x7FF] =	sst s4;
	s2 =	sor.u32 s5, s26;
	s9 =	smul.u32 $0x13C000, s5  }
0x8: {  	s31 =	sshll.u32 s0, $0x6;
	s5 =	ssub.s32 $0x2, s5;
	s7 =	smul.u32 $0x500, s2  }
0x9: {  	s2 =	rddreg [dreg:$0x3];
	_ =	strace $0x8000004A;
	s28 =	sshrl.u32 s8, $0x3  }
0xa: {  	s11 =	sshrl.u32 s5, $0x1;
	s30 =	sshrl.u32 s29, $0x2;
	s8 =	sadd.s32 s8, s9  }
0xb: {  	s11 =	ssub.s32 s5, s11;
	s13 =	sadd.s32 s30, s3;
	s8 =	sshrl.u32 s8, $0x3  }
0xc: {  	s10 =	sadd.s32 s7, s6;
	s7 =	sadd.s32 s28, s6;
	s12 =	sadd.s32 s8, s6  }
0xd: {  	s5 =	sadd.s32 $0xC800, s7;
	s6 =	sor.u32 $0x1C02, s31;
	s7 =	sadd.s32 $0x83000, s10  }
0xe: {  	s8 =	sadd.s32 $0x2800, s10;
	s10 =	smax.u32 s11, $0x1;
	s11 =	sshrl.u32 s13, $0x3  }
0xf: {  	s13 =	simm.s32 $0x2800;
	s9 =	sadd.s32 $0x8D000, s12;
	s12 =	simm.s32 $0x2  }
.LBB2_1:
0x10: {  	[spmem:s11], [sflag:s6] =	dma.local [hbm:s5], $0x2780  }
0x11: {  	_ =	swait.ge [sflag:s12], $0x2780  }
0x12: {  	[sflag:s12] =	ssyncset.done $0x0  }
0x13: {  	[sflag:s12] =	ssyncadd.s32 $0xFFFFD880  }
0x14: {  	[tilespmem:s4], [sflag:$0x2] =	stream.linear.gather [hbm4b:s7+s4], $0x2800, $0x38;
	[tilespmem:$0x1CC00] =	vst v63  }
0x15: {  	_ =	swait.ge [sflag:s12], $0x2800  }
0x16: {  	[sflag:s12] =	ssyncset.done $0x0  }
0x17: {  	[sflag:s12] =	ssyncadd.s32 $0xFFFFD800  }
0x18: {  	[tilespmem:s13], [sflag:$0x2] =	stream.linear.gather [hbm4b:s8+s4], $0x2800, $0x38;
	[tilespmem:$0x1CC00] =	vst v63  }
0x19: {  	_ =	swait.ge [sflag:s12], $0x2800  }
0x1a: {  	[sflag:s12] =	ssyncset.done $0x0  }
0x1b: {  	[sflag:s12] =	ssyncadd.s32 $0xFFFFD800  }
0x1c: {  	s18 =	simm.s32 $0x0;
	[bflag:$0x0] =	sbarrier.arrive $0xFFFF  }
0x1d: {  	[tilespmem:s15], [sflag:$0x1] =	stream.indirect.gather [hbm4b:s1+s14], $0x80, s18, s14, $0xb8;
	[tilespmem:$0x1CC00] =	vst v63  }
0x1e: {  	_ =	swait.ge [sflag:s16], $0x4000  }
0x1f: {  	[sflag:s16] =	ssyncset.done $0x0  }
0x20: {  	s31 =	simm.s32 $0x2800;
	[sflag:s16] =	ssyncadd.s32 $0xFFFFC000  }
0x21: {  	[spmem:s3] =	stream.indirect.scatter.add.f32 [tilespmem:s15], [sflag:$0x2], $0x80, s31, s14, $0xb8;
	[tilespmem:$0x1CC00] =	vst v63  }
0x22: {  	_ =	swait.ge [sflag:s12], $0x4000  }
0x23: {  	s19 =	simm.s32 $0x400;
	s18 =	simm.s32 $0x200;
	[sflag:s12] =	ssyncset.done $0x0  }
.LBB2_2:
0x24: {  	s20 =	sshra.s32 s18, $0x2  }
0x25: {  	[sflag:s12] =	ssyncadd.s32 $0xFFFFC000;
	s18 =	smov.u32 s19;
	s21 =	sadd.s32 $0x200, s19  }
0x26: {  	[tilespmem:s15], [sflag:$0x1] =	stream.indirect.gather [hbm4b:s1+s14], $0x80, s20, s14, $0xb8;
	[tilespmem:$0x1CC00] =	vst v63  }
0x27: {  	p0 =	sne.s32 s19, $0x9E00;
	_ =	swait.ge [sflag:s16], $0x4000  }
.Ltmp0:
0x28: {  	[sflag:s16] =	ssyncset.done $0x0;
	(pc) =	sbr.rel @p0 .LBB2_2-.Ltmp0, $4  }
0x29: {  	s19 =	sadd.s32 $0x2800, s20;
	[sflag:s16] =	ssyncadd.s32 $0xFFFFC000  }
0x2a: {  	[spmem:s3] =	stream.indirect.scatter.add.f32 [tilespmem:s15], [sflag:$0x2], $0x80, s19, s14, $0xb8;
	[tilespmem:$0x1CC00] =	vst v63  }
0x2b: {  	_ =	swait.ge [sflag:s12], $0x4000  }
0x2c: {  	s19 =	smov.u32 s21;
	[sflag:s12] =	ssyncset.done $0x0  }
0x2d: {  	s18 =	sshra.s32 s18, $0x2;
	[sflag:s12] =	ssyncadd.s32 $0xFFFFC000  }
0x2e: {  	[tilespmem:s15], [sflag:$0x1] =	stream.indirect.gather [hbm4b:s1+s14], $0x80, s18, s14, $0xb8;
	[tilespmem:$0x1CC00] =	vst v63  }
0x2f: {  	_ =	swait.ge [sflag:s16], $0x4000  }
0x30: {  	[sflag:s16] =	ssyncset.done $0x0  }
0x31: {  	s18 =	sadd.s32 $0x2800, s18;
	[sflag:s16] =	ssyncadd.s32 $0xFFFFC000  }
0x32: {  	[spmem:s3] =	stream.indirect.scatter.add.f32 [tilespmem:s15], [sflag:$0x2], $0x80, s18, s14, $0xb8;
	[tilespmem:$0x1CC00] =	vst v63  }
0x33: {  	_ =	swait.ge [sflag:s12], $0x4000  }
0x34: {  	s17 =	sadd.s32 $0x1, s17;
	[sflag:s12] =	ssyncset.done $0x0  }
0x35: {  	p0 =	sne.s32 s17, s10;
	[sflag:s12] =	ssyncadd.s32 $0xFFFFC000  }
.Ltmp1:
0x36: {  	[bflag:$0x0] =	sbarrier.arrive $0xFFFF;
	(pc) =	sbr.rel @p0 .LBB2_1-.Ltmp1, $4  }
0x37: {  	[hbm:s9], [sflag:s6] =	dma.local [spmem:s11], $0x2780  }
0x38: {  	_ =	swait.ge [sflag:s12], $0x2780  }
0x39: {  	[sflag:s12] =	ssyncset.done $0x0  }
0x3a: {  	[sflag:s12] =	ssyncadd.s32 $0xFFFFD880  }
0x3b: {  	_ =	sfence.sel $0x180000  }
0x3c: {  	[bflag:$0x0] =	sbarrier.arrive $0xFFFF  }
0x3d: {  	p0 =	sne.s32 s0, $0x0;
	_ =	strace $0x9000004A  }
0x3e: {  	s0 =	sadd.s32 @!p0 $0x100000, s2;
	[bflag:$0x2] =	sbarrier.arrive $0xFFFF  }
0x3f: {  	[sflag:s0] =	ssyncadd.tile.s32 @!p0 $0x1;
	_ =	shalt  }
.Lfunc_end2:
_tile_overlayer_lowered:
.L_overlay_start_2:
0x40: {  	(tag) =	ssettag $0x2  }
0x41: {  	s0 =	rddreg [dreg:$0x0];
	s2 =	stileid.u32  }
0x42: {  	s1 =	rddreg [dreg:$0x1];
	p0 =	sne.s32 s2, $0x0  }
0x43: {  	s3 =	rddreg [dreg:$0x2];
	[bflag:$0x3] =	sbarrier.arrive $0xFFFF;
	s2 =	simm.s32 @!p0 $0x1C02  }
0x44: {  	[timem:s3], [sflag:s2] =	dma.local @!p0 [hbm:s0], s1  }
0x45: {  	s0 =	simm.s32 @!p0 $0x2  }
0x46: {  	_ =	swait.ge @!p0 [sflag:s0], s1  }
0x47: {  	s1 =	ssub.s32 @!p0 $0x0, s1;
	[sflag:s0] =	ssyncset.done @!p0 $0x0  }
0x48: {  	[sflag:s0] =	ssyncadd.s32 @!p0 s1  }
0x49: {  	[bflag:$0x3] =	sbarrier.arrive $0xFFFF  }
0x4a: {  	_ =	shalt  }

// kernel: kernel.7.cloned.1.call-start
scs
__scs_entry_jumppad:
0x0: {  	(pc) =	sbr.rel $0x88, $3  }
0x1: {  	(tag) =	ssettag $0x0;
	lr =	simm.s32 $0x1  }
0x2: {  	[smem:$0x3F94] =	sst lr;
	_ =	strace $0xD0000000  }
0x3: {  	_ = 	snop  }
0x4: {  	_ = 	snop  }
0x5: {  	_ = 	snop  }
0x6: {  	_ = 	snop  }
0x7: {  	_ = 	snop  }
__scs_overlays_trampoline_lowered:
0x8: {  	[smem:$0x3FA3] =	sst s0  }
0x9: {  	[smem:$0x3FA4] =	sst s1  }
0xa: {  	[smem:$0x3FA5] =	sst s2  }
0xb: {  	[smem:$0x3FA6] =	sst s3  }
0xc: {  	[smem:$0x3FA7] =	sst s4  }
0xd: {  	[smem:$0x3FA8] =	sst s5  }
0xe: {  	[smem:$0x3FA9] =	sst s6  }
0xf: {  	[smem:$0x3FAA] =	sst s7  }
0x10: {  	[smem:$0x3FAB] =	sst s8  }
0x11: {  	[smem:$0x3FAC] =	sst s9;
	s0 =	simm.s32 @!p0 $0x0  }
0x12: {  	s1 =	sld [smem:$0x3F92];
	s0 =	simm.s32 @p0 $0x1  }
0x13: {  	[smem:$0x3FAD] =	sst s0;
	s0 =	simm.s32 @!p1 $0x0  }
0x14: {  	s2 =	sld [smem:$0x3F91];
	s0 =	simm.s32 @p1 $0x1  }
0x15: {  	[smem:$0x3FAE] =	sst s0;
	s0 =	simm.s32 @!p2 $0x0  }
0x16: {  	s3 =	sld [smem:$0x3FDB];
	s0 =	simm.s32 @p2 $0x1  }
0x17: {  	s4 =	simm.s32 $0x1BF5;
	[smem:$0x3FB0] =	sst s0  }
0x18: {  	s0 =	sld [smem:$0x3F93];
	_ =	swait.ge [sflag:s4], $0x0  }
0x19: {  	s7 =	sld [smem:$0x3F94]  }
0x1a: {  	s8 =	sadd.s32 $0xFFFFE003, lr  }
0x1b: {  	s9 =	sadd.s32 $0xFFFFFEF7, lr;
	s5 =	simm.s32 $0xFFFFFFFF;
	p2 =	slt.u32 s8, $0xFFFFF086  }
0x1c: {  	p1 =	slt.u32 s9, $0xF7A;
	s5 =	simm.s32 @!p2 $0x0  }
0x1d: {  	s5 =	simm.s32 @p1 $0x1;
	p0 =	seq.s32 s7, s2  }
0x1e: {  	s7 =	smul.u32 @!p0 $0xF7A, s2;
	p2 =	seq.s32 @!p0 s5, $0x0  }
0x1f: {  	s9 =	smul.u32 $0xF7A, s1;
	s8 =	simm.s32 @!p0 $0x1BF5;
	p2 =	por !p2, p0  }
0x20: {  	[sflag:s8] =	ssyncset.s32 @!p0 $0xFFFFF086;
	s6 =	sadd.s32 @!p0 s3, s7;
	s7 =	simm.s32 @!p0 $0x108  }
0x21: {  	s3 =	sadd.s32 s3, s9;
	s6 =	sadd.s32 @!p0 $0x88, s6;
	s7 =	simm.s32 @p2 $0x1082  }
0x22: {  	[simem:s7], [sflag:s8] =	dma.local @!p0 [hbm:s6], $0xF7A  }
0x23: {  	s9 =	sor.u32 $0xD0000000, s2;
	s6 =	simm.s32 $0x108;
	_ =	swait.ge @!p0 [sflag:s8], $0x0  }
0x24: {  	s3 =	sadd.s32 $0x88, s3;
	s6 =	simm.s32 @!p1 $0x1082;
	[sflag:s4] =	ssyncset.s32 $0xFFFFF086  }
0x25: {  	[simem:s6], [sflag:s4] =	dma.local [hbm:s3], $0xF7A  }
0x26: {  	[smem:$0x3F94] =	sst s1;
	(tag) =	ssettag s2;
	_ =	strace s9  }
0x27: {  	s1 =	sld [smem:$0x3FA4]  }
0x28: {  	s2 =	sld [smem:$0x3FA5]  }
0x29: {  	s4 =	sld [smem:$0x3FA7]  }
0x2a: {  	p0 =	seq.s32 s5, $0x0;
	s5 =	sld [smem:$0x3FA8]  }
0x2b: {  	s6 =	sld [smem:$0x3FA9]  }
0x2c: {  	s7 =	sld [smem:$0x3FAA]  }
0x2d: {  	s3 =	simm.s32 $0x108;
	s8 =	sld [smem:$0x3FAB]  }
0x2e: {  	s3 =	simm.s32 @!p0 $0x1082;
	s9 =	sld [smem:$0x3FAC]  }
0x2f: {  	lr =	sadd.s32 s0, s3;
	s0 =	sld [smem:$0x3FA3]  }
0x30: {  	s3 =	sld [smem:$0x3FA6]  }
0x31: {  	[smem:$0x3FAF] =	sst s10  }
0x32: {  	s10 =	sld [smem:$0x3FAD];
	_ =	sdelay $0x3  }
0x33: {  	p0 =	seq.s32 s10, $0x1;
	s10 =	sld [smem:$0x3FAF];
	_ =	sdelay $0x3  }
0x34: {  	[smem:$0x3FAF] =	sst s10  }
0x35: {  	s10 =	sld [smem:$0x3FAE];
	_ =	sdelay $0x3  }
0x36: {  	p1 =	seq.s32 s10, $0x1;
	s10 =	sld [smem:$0x3FAF];
	_ =	sdelay $0x3  }
0x37: {  	[smem:$0x3FAF] =	sst s10  }
0x38: {  	s10 =	sld [smem:$0x3FB0]  }
0x39: {  	_ = 	snop;
	(pc) =	sbr.ind lr, $3  }
0x3a: {  	_ = 	snop  }
0x3b: {  	_ = 	snop  }
0x3c: {  	p2 =	seq.s32 s10, $0x1;
	s10 =	sld [smem:$0x3FAF]  }
0x3d: {  	_ =	shalt  }
0x3e: {  	_ =	shalt  }
0x3f: {  	_ =	shalt  }
0x40: {  	_ =	shalt  }
0x41: {  	_ =	shalt  }
0x42: {  	_ =	shalt  }
0x43: {  	_ =	shalt  }
0x44: {  	_ =	shalt  }
0x45: {  	_ =	shalt  }
0x46: {  	_ =	shalt  }
0x47: {  	_ =	shalt  }
0x48: {  	_ =	shalt  }
0x49: {  	_ =	shalt  }
0x4a: {  	_ =	shalt  }
0x4b: {  	_ =	shalt  }
0x4c: {  	_ =	shalt  }
0x4d: {  	_ =	shalt  }
0x4e: {  	_ =	shalt  }
0x4f: {  	_ =	shalt  }
0x50: {  	_ =	shalt  }
0x51: {  	_ =	shalt  }
0x52: {  	_ =	shalt  }
0x53: {  	_ =	shalt  }
0x54: {  	_ =	shalt  }
0x55: {  	_ =	shalt  }
0x56: {  	_ =	shalt  }
0x57: {  	_ =	shalt  }
0x58: {  	_ =	shalt  }
0x59: {  	_ =	shalt  }
0x5a: {  	_ =	shalt  }
0x5b: {  	_ =	shalt  }
0x5c: {  	_ =	shalt  }
0x5d: {  	_ =	shalt  }
0x5e: {  	_ =	shalt  }
0x5f: {  	_ =	shalt  }
0x60: {  	_ =	shalt  }
0x61: {  	_ =	shalt  }
0x62: {  	_ =	shalt  }
0x63: {  	_ =	shalt  }
0x64: {  	_ =	shalt  }
0x65: {  	_ =	shalt  }
0x66: {  	_ =	shalt  }
0x67: {  	_ =	shalt  }
0x68: {  	_ =	shalt  }
0x69: {  	_ =	shalt  }
0x6a: {  	_ =	shalt  }
0x6b: {  	_ =	shalt  }
0x6c: {  	_ =	shalt  }
0x6d: {  	_ =	shalt  }
0x6e: {  	_ =	shalt  }
0x6f: {  	_ =	shalt  }
0x70: {  	_ =	shalt  }
0x71: {  	_ =	shalt  }
0x72: {  	_ =	shalt  }
0x73: {  	_ =	shalt  }
0x74: {  	_ =	shalt  }
0x75: {  	_ =	shalt  }
0x76: {  	_ =	shalt  }
0x77: {  	_ =	shalt  }
0x78: {  	_ =	shalt  }
0x79: {  	_ =	shalt  }
0x7a: {  	_ =	shalt  }
0x7b: {  	_ =	shalt  }
0x7c: {  	_ =	shalt  }
0x7d: {  	_ =	shalt  }
0x7e: {  	_ =	shalt  }
0x7f: {  	_ =	shalt  }
0x80: {  	_ =	shalt  }
0x81: {  	_ =	shalt  }
0x82: {  	_ =	shalt  }
0x83: {  	_ =	shalt  }
0x84: {  	_ =	shalt  }
0x85: {  	_ =	shalt  }
0x86: {  	_ =	shalt  }
0x87: {  	_ =	shalt  }
.Lfunc_end0:
.L_simem_size_0:
called_computation_lowered:
.L_overlay_start_0:
0x88: {  	s2 =	sld [smem:$0x3FD9]  }
0x89: {  	s3 =	sld [smem:$0x3FFE];
	_ =	sdelay $0x1  }
0x8a: {  	s1 =	srdreg.scid  }
0x8b: {  	s0 =	sand.u32 $0x1, s1  }
0x8c: {  	s17 =	sshll.u32 s0, $0xA;
	s2 =	sadd.s32 s3, s2  }
0x8d: {  	s2 =	sadd.s32 s2, s17  }
0x8e: {  	[smem:$0x3FBB] =	sst s2  }
0x8f: {  	_ = 	snop  }
0x90: {  	s2 =	sld [smem:$0x3FD0];
	(tm) =	ssettm $0x1  }
0x91: {  	s18 =	sld [smem:$0x3FFB];
	_ =	sdelay $0x3  }
0x92: {  	_ =	strace s18  }
0x93: {  	s3 =	sld [smem:$0x3FFC];
	_ =	sdelay $0x3  }
0x94: {  	_ =	strace s3  }
0x95: {  	s3 =	sld [smem:$0x3FFD];
	_ =	sdelay $0x3  }
0x96: {  	_ =	strace s3  }
0x97: {  	_ =	strace $0x8FFFFFFF  }
0x98: {  	s19 =	sld [smem:$0x3FDB];
	_ =	sdelay $0x1  }
0x99: {  	s4 =	simm.s32 $_scs_section_size  }
0x9a: {  	s5 =	simm.s32 $_size__tile_overlayer_lowered;
	s6 =	simm.s32 $_tile_overlayer_lowered  }
0x9b: {  	s22 =	simm.s32 $0x1BFF;
	s21 =	sshll.u32 s6, $0x1;
	s3 =	sadd.s32 s4, s19  }
0x9c: {  	s7 =	simm.s32 $0x0;
	s20 =	sshll.u32 s5, $0x1;
	s5 =	sadd.s32 s21, s3  }
0x9d: {  	[timem:s7], [sflag:s22] =	dma.local [hbm:s5], s20  }
0x9e: {  	_ =	swait.ge [sflag:s22], s20  }
0x9f: {  	s4 =	ssub.s32 $0x0, s20;
	[sflag:s22] =	ssyncset.done $0x0  }
0xa0: {  	[sflag:s22] =	ssyncadd.s32 s4;
	_ =	sdelay $0x1  }
0xa1: {  	s23 =	simm.s32 $0x1B8B  }
0xa2: {  	_ =	swait.ge [sflag:s23], $0x1  }
0xa3: {  	[sflag:s23] =	ssyncset.done $0x0  }
0xa4: {  	s25 =	simm.s32 $0x1B8E;
	s24 =	sld [smem:$0x3FFE];
	[sflag:s23] =	ssyncadd.s32 $0xFFFFFFFF  }
0xa5: {  	s26 =	simm.s32 $execute0_lowered;
	[smem:$0x3FD2] =	sst s25  }
0xa6: {  	s5 =	sshll.u32 s26, $0x1;
	_ =	strace $0x80000046;
	[dreg:$0x1] =	wrdreg $0xFFFFFFFF  }
0xa7: {  	s28 =	simm.s32 $_size_execute0_lowered;
	s3 =	sadd.s32 s3, s5;
	[dreg:$0x0] =	wrdreg $0x0  }
0xa8: {  	s5 =	sshll.u32 s28, $0x1;
	[dreg:$0x2] =	wrdreg s3  }
0xa9: {  	[dreg:$0x3] =	wrdreg s5  }
0xaa: {  	[dreg:$0x4] =	wrdreg $0xC0  }
0xab: {  	_ =	task [dreg:s7], $0x5FFFF  }
0xac: {  	[dreg:$0x1] =	wrdreg $0xFFFFFFFF  }
0xad: {  	[dreg:$0x0] =	wrdreg $0x60  }
0xae: {  	[dreg:$0x2] =	wrdreg s24  }
0xaf: {  	[dreg:$0x3] =	wrdreg s2  }
0xb0: {  	[dreg:$0x4] =	wrdreg $0x68000  }
0xb1: {  	[dreg:$0x5] =	wrdreg $0x9  }
0xb2: {  	_ =	task.clear_ibuf [dreg:s7], $0x6FFFF;
	_ =	strace $0x90000046  }
0xb3: {  	s29 =	simm.s32 $0x9;
	_ =	strace $0x80000048  }
0xb4: {  	_ =	swait.ge [sflag:s29], $0x1  }
0xb5: {  	[sflag:s29] =	ssyncadd.s32 $0xFFFFFFFF  }
0xb6: {  	_ =	strace $0x90000048  }
0xb7: {  	_ =	sfence  }
0xb8: {  	s30 =	sld [smem:$0x0];
	_ =	sdelay $0x2  }
0xb9: {  	s31 =	sshll.u32 s1, $0xD;
	s1 =	sshrl.u32 s1, $0x2  }
0xba: {  	s3 =	sand.u32 $0x4000, s31;
	s1 =	sadd.s32 s1, s30  }
0xbb: {  	s0 =	sor.u32 s3, s0;
	s1 =	sshll.u32 s1, $0x11  }
0xbc: {  	s0 =	sor.u32 s1, s0  }
0xbd: {  	s0 =	sadd.s32 $0x8F2B, s0  }
0xbe: {  	[sflag:s0] =	ssyncadd.remote.s32 $0x1  }
0xbf: {  	_ =	sfence.sel $0xFFFF  }
0xc0: {  	[dreg:$0x0] =	wrdreg $0xFFFFFFFF;
	(pc) =	sbr.abs _section_cstart, $3  }
0xc1: {  	[dreg:$0x1] =	wrdreg $0xFFFFFFFF  }
0xc2: {  	_ =	task.clear_ibuf [dreg:s7], $0x2FFFF;
	_ =	strace $0x9FFFFFFF  }
0xc3: {  	(tm) =	ssettm $0x7FFFFFFF  }
tec
execute0_lowered:
.L_overlay_start_1:
0x0: {  	(tag) =	ssettag $0x1  }
0x1: {  	s5 =	rddreg [dreg:$0x0]  }
0x2: {  	s1 =	srdreg.scid;
	s2 =	rddreg [dreg:$0x1]  }
0x3: {  	s0 =	stileid.u32;
	s3 =	rddreg [dreg:$0x2]  }
0x4: {  	s4 =	simm.s32 $0x0;
	s13 =	simm.s32 $0x80;
	s14 =	simm.s32 $0x0  }
0x5: {  	s6 =	sand.u32 $0x1, s1;
	s28 =	sshll.u32 s0, $0x1;
	s8 =	smul.u32 $0x13C00, s0  }
0x6: {  	[smem:$0x7FF] =	sst s4;
	s29 =	smul.u32 $0x4F000, s0;
	s31 =	sshll.u32 s0, $0x6  }
0x7: {  	s1 =	sor.u32 s6, s28;
	s9 =	smul.u32 $0x13C000, s6;
	s6 =	ssub.s32 $0x2, s6  }
0x8: {  	s7 =	smul.u32 $0x500, s1;
	s1 =	rddreg [dreg:$0x3];
	_ =	strace $0x80000047  }
0x9: {  	s10 =	sshrl.u32 s8, $0x3;
	s11 =	sshrl.u32 s6, $0x1;
	s30 =	sshrl.u32 s29, $0x2  }
0xa: {  	s8 =	sadd.s32 s8, s9;
	s10 =	sadd.s32 s10, s5;
	s11 =	ssub.s32 s6, s11  }
0xb: {  	s12 =	sadd.s32 s30, s3;
	s6 =	sor.u32 $0x1C01, s31;
	s7 =	sadd.s32 s7, s5  }
0xc: {  	s8 =	sshrl.u32 s8, $0x3;
	s9 =	smax.u32 s11, $0x1;
	s11 =	simm.s32 $0x1  }
0xd: {  	s8 =	sadd.s32 s8, s5;
	s5 =	sadd.s32 $0xC800, s10;
	s7 =	sadd.s32 $0x2800, s7  }
0xe: {  	s10 =	sshrl.u32 s12, $0x3;
	s12 =	simm.s32 $0x2800;
	s8 =	sadd.s32 $0x34000, s8  }
.LBB2_1:
0xf: {  	[spmem:s10], [sflag:s6] =	dma.local [hbm:s5], $0x2780  }
0x10: {  	_ =	swait.ge [sflag:s11], $0x2780  }
0x11: {  	[sflag:s11] =	ssyncset.done $0x0  }
0x12: {  	[sflag:s11] =	ssyncadd.s32 $0xFFFFD880  }
0x13: {  	[tilespmem:s12], [sflag:$0x1] =	stream.linear.gather [hbm4b:s2+s4], $0x4000, $0x38;
	[tilespmem:$0x8F80] =	vst v63  }
0x14: {  	_ =	swait.ge [sflag:s11], $0x4000  }
0x15: {  	[sflag:s11] =	ssyncset.done $0x0  }
0x16: {  	[sflag:s11] =	ssyncadd.s32 $0xFFFFC000  }
0x17: {  	[tilespmem:s4], [sflag:$0x1] =	stream.linear.gather [hbm4b:s7+s4], $0x2800, $0x38;
	[tilespmem:$0x8F80] =	vst v63  }
0x18: {  	_ =	swait.ge [sflag:s11], $0x2800  }
0x19: {  	[sflag:s11] =	ssyncset.done $0x0  }
0x1a: {  	[sflag:s11] =	ssyncadd.s32 $0xFFFFD800  }
0x1b: {  	s15 =	simm.s32 $0x0;
	[bflag:$0x0] =	sbarrier.arrive $0xFFFF  }
0x1c: {  	[spmem:s3] =	stream.indirect.scatter.add.f32 [tilespmem:s12], [sflag:$0x1], $0x10, s15, s13, $0xb8;
	[tilespmem:$0x8F80] =	vst v63  }
0x1d: {  	_ =	swait.ge [sflag:s11], $0x800  }
0x1e: {  	s15 =	simm.s32 $0x200;
	[sflag:s11] =	ssyncset.done $0x0  }
.LBB2_2:
0x1f: {  	s16 =	sshra.s32 s15, $0x2;
	[sflag:s11] =	ssyncadd.s32 $0xFFFFF800;
	p0 =	sne.s32 s15, $0x9E00  }
0x20: {  	[spmem:s3] =	stream.indirect.scatter.add.f32 [tilespmem:s12], [sflag:$0x1], $0x10, s16, s13, $0xb8;
	[tilespmem:$0x8F80] =	vst v63  }
.Ltmp0:
0x21: {  	_ = 	snop;
	(pc) =	sbr.rel @p0 .LBB2_2-.Ltmp0, $4  }
0x22: {  	_ = 	snop  }
0x23: {  	s15 =	sadd.s32 $0x200, s15  }
0x24: {  	_ =	swait.ge [sflag:s11], $0x800  }
0x25: {  	[sflag:s11] =	ssyncset.done $0x0  }
0x26: {  	s14 =	sadd.s32 $0x1, s14  }
0x27: {  	[sflag:s11] =	ssyncadd.s32 $0xFFFFF800;
	p0 =	sne.s32 s14, s9  }
.Ltmp1:
0x28: {  	[bflag:$0x0] =	sbarrier.arrive $0xFFFF;
	(pc) =	sbr.rel @p0 .LBB2_1-.Ltmp1, $4  }
0x29: {  	[hbm:s8], [sflag:s6] =	dma.local [spmem:s10], $0x2780  }
0x2a: {  	_ =	swait.ge [sflag:s11], $0x2780  }
0x2b: {  	[sflag:s11] =	ssyncset.done $0x0  }
0x2c: {  	[sflag:s11] =	ssyncadd.s32 $0xFFFFD880  }
0x2d: {  	_ =	sfence.sel $0x180000  }
0x2e: {  	[bflag:$0x0] =	sbarrier.arrive $0xFFFF  }
0x2f: {  	p0 =	sne.s32 s0, $0x0;
	_ =	strace $0x90000047  }
0x30: {  	s0 =	sadd.s32 @!p0 $0x100000, s1;
	[bflag:$0x2] =	sbarrier.arrive $0xFFFF  }
0x31: {  	[sflag:s0] =	ssyncadd.tile.s32 @!p0 $0x1;
	_ =	shalt  }
.Lfunc_end2:
_tile_overlayer_lowered:
.L_overlay_start_2:
0x32: {  	(tag) =	ssettag $0x2  }
0x33: {  	s0 =	rddreg [dreg:$0x0];
	s2 =	stileid.u32  }
0x34: {  	s1 =	rddreg [dreg:$0x1];
	p0 =	sne.s32 s2, $0x0  }
0x35: {  	s3 =	rddreg [dreg:$0x2];
	[bflag:$0x3] =	sbarrier.arrive $0xFFFF;
	s2 =	simm.s32 @!p0 $0x1C01  }
0x36: {  	[timem:s3], [sflag:s2] =	dma.local @!p0 [hbm:s0], s1  }
0x37: {  	s0 =	simm.s32 @!p0 $0x1  }
0x38: {  	_ =	swait.ge @!p0 [sflag:s0], s1  }
0x39: {  	s1 =	ssub.s32 @!p0 $0x0, s1;
	[sflag:s0] =	ssyncset.done @!p0 $0x0  }
0x3a: {  	[sflag:s0] =	ssyncadd.s32 @!p0 s1  }
0x3b: {  	[bflag:$0x3] =	sbarrier.arrive $0xFFFF  }
0x3c: {  	_ =	shalt  }

</sc_bundles>
